<compile_context>
chip_gen: v7x
topology: tpu7x:2x2x1
jax: 0.10.2.dev20260603
libtpu: 0.0.44.dev20260713+nightly
codegen_flags: <defaults>
</compile_context>

<pallas_src>
import functools

import jax
import jax.numpy as jnp
from jax import lax
from jax.experimental import pallas as pl
from jax.experimental.pallas import tpu as pltpu
from jax.experimental.pallas import tpu_sc as plsc

BATCH = 16384
HID = 64
NC = 2
NS = 16
NW = NC * NS
RPW = BATCH // NW
CHUNK = 128
NCH = RPW // CHUNK
GROUPS = RPW // 16


def _sc_body(user_hbm, item_hbm, uw_hbm, iw_hbm, ub_hbm, ib_hbm,
             out_hbm, uidx, iidx, urows, irows, ubv, ibv, outv, sem):
    wid = lax.axis_index("s") * NC + lax.axis_index("c")
    base = wid * RPW

    pltpu.sync_copy(user_hbm.at[pl.ds(base, RPW)], uidx)
    pltpu.sync_copy(item_hbm.at[pl.ds(base, RPW)], iidx)

    copies = []
    for k in range(NCH):
        sl = pl.ds(k * CHUNK, CHUNK)
        copies.append(pltpu.async_copy(uw_hbm.at[uidx.at[sl]], urows.at[sl], sem))
        copies.append(pltpu.async_copy(iw_hbm.at[iidx.at[sl]], irows.at[sl], sem))
        copies.append(pltpu.async_copy(ub_hbm.at[uidx.at[sl]], ubv.at[sl], sem))
        copies.append(pltpu.async_copy(ib_hbm.at[iidx.at[sl]], ibv.at[sl], sem))
    for c in copies:
        c.wait()

    def group(g, carry):
        gb = g * 16
        ub_g = ubv[pl.ds(gb, 16)]
        ib_g = ibv[pl.ds(gb, 16)]
        for j in range(16):
            r = gb + j
            ubs = ub_g[j]
            ibs = ib_g[j]
            acc = None
            for c in range(HID // 16):
                u = urows[r, pl.ds(c * 16, 16)] + ubs
                v = irows[r, pl.ds(c * 16, 16)] + ibs
                p = u * v
                acc = p if acc is None else acc + p
            outv[r, pl.ds(0, 16)] = acc
        return carry

    lax.fori_loop(0, GROUPS, group, None)

    pltpu.sync_copy(outv, out_hbm.at[pl.ds(base, RPW)])


@jax.jit
def _mf(user, item, uw, iw, ub_flat, ib_flat, bias):
    mesh = plsc.VectorSubcoreMesh(core_axis_name="c", subcore_axis_name="s")
    sc_run = pl.kernel(
        _sc_body,
        out_type=jax.ShapeDtypeStruct((BATCH, 16), jnp.float32),
        mesh=mesh,
        scratch_types=[
            pltpu.VMEM((RPW,), jnp.int32),
            pltpu.VMEM((RPW,), jnp.int32),
            pltpu.VMEM((RPW, HID), jnp.float32),
            pltpu.VMEM((RPW, HID), jnp.float32),
            pltpu.VMEM((RPW,), jnp.float32),
            pltpu.VMEM((RPW,), jnp.float32),
            pltpu.VMEM((RPW, 16), jnp.float32),
            pltpu.SemaphoreType.DMA,
        ],
        compiler_params=pltpu.CompilerParams(use_tc_tiling_on_sc=False),
    )
    pacc = sc_run(user, item, uw, iw, ub_flat, ib_flat)

    p2 = pacc.reshape(BATCH // 8, 128)
    bias_row = bias.reshape(1, 1)

    def tc_body(p_ref, b_ref, o_ref):
        l_ids = lax.broadcasted_iota(jnp.int32, (128, 8), 0)
        g_ids = lax.broadcasted_iota(jnp.int32, (128, 8), 1)
        m = jnp.where(l_ids // 16 == g_ids, 1.0, 0.0).astype(jnp.float32)
        red = jnp.dot(p_ref[...], m, preferred_element_type=jnp.float32)
        o_ref[...] = red + b_ref[0, 0]

    out2 = pl.pallas_call(
        tc_body,
        out_shape=jax.ShapeDtypeStruct((BATCH // 8, 8), jnp.float32),
        in_specs=[
            pl.BlockSpec((BATCH // 8, 128), lambda: (0, 0)),
            pl.BlockSpec(memory_space=pltpu.SMEM),
        ],
        out_specs=pl.BlockSpec((BATCH // 8, 8), lambda: (0, 0)),
    )(p2, bias_row)
    return out2.reshape(BATCH)


def kernel(user, item, target, user_weight, item_weight, user_bias, item_bias,
           bias):
    del target
    ub_flat = user_bias.reshape(-1)
    ib_flat = item_bias.reshape(-1)
    return _mf(user, item, user_weight, item_weight, ub_flat, ib_flat, bias)

# --- scband reference (transcript-rebuilt; emitter-appended) ---
"""Pipeline reference for scband-mf-12180527252173 (READ-ONLY COPY).

The authoritative reference and input builder live on the scoring server;
editing this copy changes nothing except your own understanding.
"""

import jax, jax.numpy as jnp
import numpy as np

NUM_USERS = 1000000
NUM_ITEMS = 1000000
HIDDEN = 64
BATCH = 16384


def setup_inputs(seed: int = 0) -> dict:
    key = jax.random.key(seed)
    k1, k2, k3, k4, k5 = jax.random.split(key, 5)
    user = jax.random.randint(k1, (BATCH,), 0, NUM_USERS, dtype=jnp.int64 if jax.config.jax_enable_x64 else jnp.int32).astype(jnp.int32)
    item = jax.random.randint(k2, (BATCH,), 0, NUM_ITEMS, dtype=jnp.int32)
    target = jax.random.normal(k3, (BATCH,), dtype=jnp.float32)
    user_weight = jax.random.normal(k4, (NUM_USERS, HIDDEN), dtype=jnp.float32) * 0.02
    item_weight = jax.random.normal(k5, (NUM_ITEMS, HIDDEN), dtype=jnp.float32) * 0.02
    user_bias = jnp.zeros((NUM_USERS, 1), dtype=jnp.float32)
    item_bias = jnp.zeros((NUM_ITEMS, 1), dtype=jnp.float32)
    bias = jnp.zeros((1,), dtype=jnp.float32)
    return {
        "user": user,
        "item": item,
        "target": target,
        "user_weight": user_weight,
        "item_weight": item_weight,
        "user_bias": user_bias,
        "item_bias": item_bias,
        "bias": bias,
    }


def reference(user, item, target, user_weight, item_weight, user_bias, item_bias, bias):
    # user_embedding(u) = user_weight[u] + user_bias[u]  (bias dim 1 broadcasts over hidden)
    user_emb = jnp.take(user_weight, user, axis=0) + jnp.take(user_bias, user, axis=0)
    item_emb = jnp.take(item_weight, item, axis=0) + jnp.take(item_bias, item, axis=0)
    # pred_i = <user_emb_i, item_emb_i> + bias
    pred = jnp.sum(user_emb * item_emb, axis=-1) + bias[0]
    # eval mode: output['target'] = pred
    return pred

if __name__ == "__main__":
    import jax
    _d = setup_inputs()
    print(jax.jit(kernel)(*tuple(_d.values())))

</pallas_src>

<mosaic_0001>
#map = affine_map<(d0, d1) -> (0)>
#map1 = affine_map<(d0, d1) -> (0, 0)>
module attributes {stable_mosaic.version = 14 : i64} {
  func.func @_sc_body(%arg0: i32, %arg1: i32, %arg2: memref<16384xi32, #tpu.memory_space<hbm>>, %arg3: memref<16384xi32, #tpu.memory_space<hbm>>, %arg4: memref<1000000x64xf32, #tpu.memory_space<hbm>>, %arg5: memref<1000000x64xf32, #tpu.memory_space<hbm>>, %arg6: memref<1000000xf32, #tpu.memory_space<hbm>>, %arg7: memref<1000000xf32, #tpu.memory_space<hbm>>, %arg8: memref<16384x16xf32, #tpu.memory_space<hbm>>, %arg9: memref<512xi32, #tpu.memory_space<vmem>>, %arg10: memref<512xi32, #tpu.memory_space<vmem>>, %arg11: memref<512x64xf32, #tpu.memory_space<vmem>>, %arg12: memref<512x64xf32, #tpu.memory_space<vmem>>, %arg13: memref<512xf32, #tpu.memory_space<vmem>>, %arg14: memref<512xf32, #tpu.memory_space<vmem>>, %arg15: memref<512x16xf32, #tpu.memory_space<vmem>>, %arg16: memref<!tpu.dma_semaphore, #tpu.memory_space<semaphore_mem>>) attributes {dimension_semantics = [#tpu.dimension_semantics<core_parallel>, #tpu.dimension_semantics<subcore_parallel>], iteration_bounds = array<i64: 2, 16>, scalar_prefetch = 0 : i64, scratch_operands = 8 : i64, tpu.core_type = #tpu.core_type<sc_vector_subcore>, window_params = [{transform_indices = #map}, {transform_indices = #map}, {transform_indices = #map1}, {transform_indices = #map1}, {transform_indices = #map}, {transform_indices = #map}, {transform_indices = #map1}]} {
    %mul3A = arith.constant 2 : i32
    %mul3A_0 = arith.muli %arg1, %mul3A : i32
    %add3A = arith.addi %mul3A_0, %arg0 : i32
    %mul3A_1 = arith.constant 512 : i32
    %mul3A_2 = arith.muli %add3A, %mul3A_1 : i32
    "tpu.region"() ({
      %run_scoped3A = tpu.sem_alloc : memref<!tpu.dma_semaphore, #tpu.memory_space<semaphore_mem>>
      %dma_start3A_229 = tpu.memref_slice %arg2[%mul3A_2] : memref<16384xi32, #tpu.memory_space<hbm>> -> memref<512xi32, #tpu.memory_space<hbm>>
      %dma_start3A_230 = tpu.memref_slice %arg2[%mul3A_2] : memref<16384xi32, #tpu.memory_space<hbm>> -> memref<512xi32, #tpu.memory_space<hbm>>
      tpu.enqueue_dma source(%dma_start3A_230 : memref<512xi32, #tpu.memory_space<hbm>>) target(%arg9 : memref<512xi32, #tpu.memory_space<vmem>>) target_semaphore(%run_scoped3A : memref<!tpu.dma_semaphore, #tpu.memory_space<semaphore_mem>>)
      %dma_wait3A_231 = tpu.memref_slice %arg2[%mul3A_2] : memref<16384xi32, #tpu.memory_space<hbm>> -> memref<512xi32, #tpu.memory_space<hbm>>
      %dma_wait3A_232 = tpu.memref_slice %arg2[%mul3A_2] : memref<16384xi32, #tpu.memory_space<hbm>> -> memref<512xi32, #tpu.memory_space<hbm>>
      tpu.wait_dma2 semaphore(%run_scoped3A : memref<!tpu.dma_semaphore, #tpu.memory_space<semaphore_mem>>) src(%dma_wait3A_232 : memref<512xi32, #tpu.memory_space<hbm>>) dst(%arg9 : memref<512xi32, #tpu.memory_space<vmem>>)
      tpu.yield
    }) : () -> ()
    "tpu.region"() ({
      %run_scoped3A = tpu.sem_alloc : memref<!tpu.dma_semaphore, #tpu.memory_space<semaphore_mem>>
      %dma_start3A_229 = tpu.memref_slice %arg3[%mul3A_2] : memref<16384xi32, #tpu.memory_space<hbm>> -> memref<512xi32, #tpu.memory_space<hbm>>
      %dma_start3A_230 = tpu.memref_slice %arg3[%mul3A_2] : memref<16384xi32, #tpu.memory_space<hbm>> -> memref<512xi32, #tpu.memory_space<hbm>>
      tpu.enqueue_dma source(%dma_start3A_230 : memref<512xi32, #tpu.memory_space<hbm>>) target(%arg10 : memref<512xi32, #tpu.memory_space<vmem>>) target_semaphore(%run_scoped3A : memref<!tpu.dma_semaphore, #tpu.memory_space<semaphore_mem>>)
      %dma_wait3A_231 = tpu.memref_slice %arg3[%mul3A_2] : memref<16384xi32, #tpu.memory_space<hbm>> -> memref<512xi32, #tpu.memory_space<hbm>>
      %dma_wait3A_232 = tpu.memref_slice %arg3[%mul3A_2] : memref<16384xi32, #tpu.memory_space<hbm>> -> memref<512xi32, #tpu.memory_space<hbm>>
      tpu.wait_dma2 semaphore(%run_scoped3A : memref<!tpu.dma_semaphore, #tpu.memory_space<semaphore_mem>>) src(%dma_wait3A_232 : memref<512xi32, #tpu.memory_space<hbm>>) dst(%arg10 : memref<512xi32, #tpu.memory_space<vmem>>)
      tpu.yield
    }) : () -> ()
    %dma_start3A = arith.constant 0 : i32
    %dma_start3A_3 = arith.constant 0 : i32
    %dma_start3A_4 = tpu.memref_slice %arg11[%dma_start3A, %dma_start3A_3] : memref<512x64xf32, #tpu.memory_space<vmem>> -> memref<128x64xf32, #tpu.memory_space<vmem>>
    %dma_start3A_5 = arith.constant 0 : i32
    %dma_start3A_6 = tpu.memref_slice %arg9[%dma_start3A_5] : memref<512xi32, #tpu.memory_space<vmem>> -> memref<128xi32, #tpu.memory_space<vmem>>
    %dma_start3A_7 = arith.constant 0 : i32
    %dma_start3A_8 = arith.constant 0 : i32
    %dma_start3A_9 = tpu.memref_slice %arg4[%dma_start3A_7, %dma_start3A_8] : memref<1000000x64xf32, #tpu.memory_space<hbm>> -> memref<1000000x64xf32, #tpu.memory_space<hbm>>
    tpu.enqueue_indirect_dma source(%dma_start3A_9 : memref<1000000x64xf32, #tpu.memory_space<hbm>>) target(%dma_start3A_4 : memref<128x64xf32, #tpu.memory_space<vmem>>) offsets(%dma_start3A_6 : memref<128xi32, #tpu.memory_space<vmem>>) semaphore(%arg16 : memref<!tpu.dma_semaphore, #tpu.memory_space<semaphore_mem>>)
    %dma_start3A_10 = arith.constant 0 : i32
    %dma_start3A_11 = arith.constant 0 : i32
    %dma_start3A_12 = tpu.memref_slice %arg12[%dma_start3A_10, %dma_start3A_11] : memref<512x64xf32, #tpu.memory_space<vmem>> -> memref<128x64xf32, #tpu.memory_space<vmem>>
    %dma_start3A_13 = arith.constant 0 : i32
    %dma_start3A_14 = tpu.memref_slice %arg10[%dma_start3A_13] : memref<512xi32, #tpu.memory_space<vmem>> -> memref<128xi32, #tpu.memory_space<vmem>>
    %dma_start3A_15 = arith.constant 0 : i32
    %dma_start3A_16 = arith.constant 0 : i32
    %dma_start3A_17 = tpu.memref_slice %arg5[%dma_start3A_15, %dma_start3A_16] : memref<1000000x64xf32, #tpu.memory_space<hbm>> -> memref<1000000x64xf32, #tpu.memory_space<hbm>>
    tpu.enqueue_indirect_dma source(%dma_start3A_17 : memref<1000000x64xf32, #tpu.memory_space<hbm>>) target(%dma_start3A_12 : memref<128x64xf32, #tpu.memory_space<vmem>>) offsets(%dma_start3A_14 : memref<128xi32, #tpu.memory_space<vmem>>) semaphore(%arg16 : memref<!tpu.dma_semaphore, #tpu.memory_space<semaphore_mem>>)
    %dma_start3A_18 = arith.constant 0 : i32
    %dma_start3A_19 = tpu.memref_slice %arg13[%dma_start3A_18] : memref<512xf32, #tpu.memory_space<vmem>> -> memref<128xf32, #tpu.memory_space<vmem>>
    %dma_start3A_20 = arith.constant 0 : i32
    %dma_start3A_21 = tpu.memref_slice %arg9[%dma_start3A_20] : memref<512xi32, #tpu.memory_space<vmem>> -> memref<128xi32, #tpu.memory_space<vmem>>
    %dma_start3A_22 = arith.constant 0 : i32
    %dma_start3A_23 = tpu.memref_slice %arg6[%dma_start3A_22] : memref<1000000xf32, #tpu.memory_space<hbm>> -> memref<1000000xf32, #tpu.memory_space<hbm>>
    tpu.enqueue_indirect_dma source(%dma_start3A_23 : memref<1000000xf32, #tpu.memory_space<hbm>>) target(%dma_start3A_19 : memref<128xf32, #tpu.memory_space<vmem>>) offsets(%dma_start3A_21 : memref<128xi32, #tpu.memory_space<vmem>>) semaphore(%arg16 : memref<!tpu.dma_semaphore, #tpu.memory_space<semaphore_mem>>)
    %dma_start3A_24 = arith.constant 0 : i32
    %dma_start3A_25 = tpu.memref_slice %arg14[%dma_start3A_24] : memref<512xf32, #tpu.memory_space<vmem>> -> memref<128xf32, #tpu.memory_space<vmem>>
    %dma_start3A_26 = arith.constant 0 : i32
    %dma_start3A_27 = tpu.memref_slice %arg10[%dma_start3A_26] : memref<512xi32, #tpu.memory_space<vmem>> -> memref<128xi32, #tpu.memory_space<vmem>>
    %dma_start3A_28 = arith.constant 0 : i32
    %dma_start3A_29 = tpu.memref_slice %arg7[%dma_start3A_28] : memref<1000000xf32, #tpu.memory_space<hbm>> -> memref<1000000xf32, #tpu.memory_space<hbm>>
    tpu.enqueue_indirect_dma source(%dma_start3A_29 : memref<1000000xf32, #tpu.memory_space<hbm>>) target(%dma_start3A_25 : memref<128xf32, #tpu.memory_space<vmem>>) offsets(%dma_start3A_27 : memref<128xi32, #tpu.memory_space<vmem>>) semaphore(%arg16 : memref<!tpu.dma_semaphore, #tpu.memory_space<semaphore_mem>>)
    %dma_start3A_30 = arith.constant 128 : i32
    %dma_start3A_31 = arith.constant 0 : i32
    %dma_start3A_32 = tpu.memref_slice %arg11[%dma_start3A_30, %dma_start3A_31] : memref<512x64xf32, #tpu.memory_space<vmem>> -> memref<128x64xf32, #tpu.memory_space<vmem>>
    %dma_start3A_33 = arith.constant 128 : i32
    %dma_start3A_34 = tpu.memref_slice %arg9[%dma_start3A_33] : memref<512xi32, #tpu.memory_space<vmem>> -> memref<128xi32, #tpu.memory_space<vmem>>
    %dma_start3A_35 = arith.constant 0 : i32
    %dma_start3A_36 = arith.constant 0 : i32
    %dma_start3A_37 = tpu.memref_slice %arg4[%dma_start3A_35, %dma_start3A_36] : memref<1000000x64xf32, #tpu.memory_space<hbm>> -> memref<1000000x64xf32, #tpu.memory_space<hbm>>
    tpu.enqueue_indirect_dma source(%dma_start3A_37 : memref<1000000x64xf32, #tpu.memory_space<hbm>>) target(%dma_start3A_32 : memref<128x64xf32, #tpu.memory_space<vmem>>) offsets(%dma_start3A_34 : memref<128xi32, #tpu.memory_space<vmem>>) semaphore(%arg16 : memref<!tpu.dma_semaphore, #tpu.memory_space<semaphore_mem>>)
    %dma_start3A_38 = arith.constant 128 : i32
    %dma_start3A_39 = arith.constant 0 : i32
    %dma_start3A_40 = tpu.memref_slice %arg12[%dma_start3A_38, %dma_start3A_39] : memref<512x64xf32, #tpu.memory_space<vmem>> -> memref<128x64xf32, #tpu.memory_space<vmem>>
    %dma_start3A_41 = arith.constant 128 : i32
    %dma_start3A_42 = tpu.memref_slice %arg10[%dma_start3A_41] : memref<512xi32, #tpu.memory_space<vmem>> -> memref<128xi32, #tpu.memory_space<vmem>>
    %dma_start3A_43 = arith.constant 0 : i32
    %dma_start3A_44 = arith.constant 0 : i32
    %dma_start3A_45 = tpu.memref_slice %arg5[%dma_start3A_43, %dma_start3A_44] : memref<1000000x64xf32, #tpu.memory_space<hbm>> -> memref<1000000x64xf32, #tpu.memory_space<hbm>>
    tpu.enqueue_indirect_dma source(%dma_start3A_45 : memref<1000000x64xf32, #tpu.memory_space<hbm>>) target(%dma_start3A_40 : memref<128x64xf32, #tpu.memory_space<vmem>>) offsets(%dma_start3A_42 : memref<128xi32, #tpu.memory_space<vmem>>) semaphore(%arg16 : memref<!tpu.dma_semaphore, #tpu.memory_space<semaphore_mem>>)
    %dma_start3A_46 = arith.constant 128 : i32
    %dma_start3A_47 = tpu.memref_slice %arg13[%dma_start3A_46] : memref<512xf32, #tpu.memory_space<vmem>> -> memref<128xf32, #tpu.memory_space<vmem>>
    %dma_start3A_48 = arith.constant 128 : i32
    %dma_start3A_49 = tpu.memref_slice %arg9[%dma_start3A_48] : memref<512xi32, #tpu.memory_space<vmem>> -> memref<128xi32, #tpu.memory_space<vmem>>
    %dma_start3A_50 = arith.constant 0 : i32
    %dma_start3A_51 = tpu.memref_slice %arg6[%dma_start3A_50] : memref<1000000xf32, #tpu.memory_space<hbm>> -> memref<1000000xf32, #tpu.memory_space<hbm>>
    tpu.enqueue_indirect_dma source(%dma_start3A_51 : memref<1000000xf32, #tpu.memory_space<hbm>>) target(%dma_start3A_47 : memref<128xf32, #tpu.memory_space<vmem>>) offsets(%dma_start3A_49 : memref<128xi32, #tpu.memory_space<vmem>>) semaphore(%arg16 : memref<!tpu.dma_semaphore, #tpu.memory_space<semaphore_mem>>)
    %dma_start3A_52 = arith.constant 128 : i32
    %dma_start3A_53 = tpu.memref_slice %arg14[%dma_start3A_52] : memref<512xf32, #tpu.memory_space<vmem>> -> memref<128xf32, #tpu.memory_space<vmem>>
    %dma_start3A_54 = arith.constant 128 : i32
    %dma_start3A_55 = tpu.memref_slice %arg10[%dma_start3A_54] : memref<512xi32, #tpu.memory_space<vmem>> -> memref<128xi32, #tpu.memory_space<vmem>>
    %dma_start3A_56 = arith.constant 0 : i32
    %dma_start3A_57 = tpu.memref_slice %arg7[%dma_start3A_56] : memref<1000000xf32, #tpu.memory_space<hbm>> -> memref<1000000xf32, #tpu.memory_space<hbm>>
    tpu.enqueue_indirect_dma source(%dma_start3A_57 : memref<1000000xf32, #tpu.memory_space<hbm>>) target(%dma_start3A_53 : memref<128xf32, #tpu.memory_space<vmem>>) offsets(%dma_start3A_55 : memref<128xi32, #tpu.memory_space<vmem>>) semaphore(%arg16 : memref<!tpu.dma_semaphore, #tpu.memory_space<semaphore_mem>>)
    %dma_start3A_58 = arith.constant 256 : i32
    %dma_start3A_59 = arith.constant 0 : i32
    %dma_start3A_60 = tpu.memref_slice %arg11[%dma_start3A_58, %dma_start3A_59] : memref<512x64xf32, #tpu.memory_space<vmem>> -> memref<128x64xf32, #tpu.memory_space<vmem>>
    %dma_start3A_61 = arith.constant 256 : i32
    %dma_start3A_62 = tpu.memref_slice %arg9[%dma_start3A_61] : memref<512xi32, #tpu.memory_space<vmem>> -> memref<128xi32, #tpu.memory_space<vmem>>
    %dma_start3A_63 = arith.constant 0 : i32
    %dma_start3A_64 = arith.constant 0 : i32
    %dma_start3A_65 = tpu.memref_slice %arg4[%dma_start3A_63, %dma_start3A_64] : memref<1000000x64xf32, #tpu.memory_space<hbm>> -> memref<1000000x64xf32, #tpu.memory_space<hbm>>
    tpu.enqueue_indirect_dma source(%dma_start3A_65 : memref<1000000x64xf32, #tpu.memory_space<hbm>>) target(%dma_start3A_60 : memref<128x64xf32, #tpu.memory_space<vmem>>) offsets(%dma_start3A_62 : memref<128xi32, #tpu.memory_space<vmem>>) semaphore(%arg16 : memref<!tpu.dma_semaphore, #tpu.memory_space<semaphore_mem>>)
    %dma_start3A_66 = arith.constant 256 : i32
    %dma_start3A_67 = arith.constant 0 : i32
    %dma_start3A_68 = tpu.memref_slice %arg12[%dma_start3A_66, %dma_start3A_67] : memref<512x64xf32, #tpu.memory_space<vmem>> -> memref<128x64xf32, #tpu.memory_space<vmem>>
    %dma_start3A_69 = arith.constant 256 : i32
    %dma_start3A_70 = tpu.memref_slice %arg10[%dma_start3A_69] : memref<512xi32, #tpu.memory_space<vmem>> -> memref<128xi32, #tpu.memory_space<vmem>>
    %dma_start3A_71 = arith.constant 0 : i32
    %dma_start3A_72 = arith.constant 0 : i32
    %dma_start3A_73 = tpu.memref_slice %arg5[%dma_start3A_71, %dma_start3A_72] : memref<1000000x64xf32, #tpu.memory_space<hbm>> -> memref<1000000x64xf32, #tpu.memory_space<hbm>>
    tpu.enqueue_indirect_dma source(%dma_start3A_73 : memref<1000000x64xf32, #tpu.memory_space<hbm>>) target(%dma_start3A_68 : memref<128x64xf32, #tpu.memory_space<vmem>>) offsets(%dma_start3A_70 : memref<128xi32, #tpu.memory_space<vmem>>) semaphore(%arg16 : memref<!tpu.dma_semaphore, #tpu.memory_space<semaphore_mem>>)
    %dma_start3A_74 = arith.constant 256 : i32
    %dma_start3A_75 = tpu.memref_slice %arg13[%dma_start3A_74] : memref<512xf32, #tpu.memory_space<vmem>> -> memref<128xf32, #tpu.memory_space<vmem>>
    %dma_start3A_76 = arith.constant 256 : i32
    %dma_start3A_77 = tpu.memref_slice %arg9[%dma_start3A_76] : memref<512xi32, #tpu.memory_space<vmem>> -> memref<128xi32, #tpu.memory_space<vmem>>
    %dma_start3A_78 = arith.constant 0 : i32
    %dma_start3A_79 = tpu.memref_slice %arg6[%dma_start3A_78] : memref<1000000xf32, #tpu.memory_space<hbm>> -> memref<1000000xf32, #tpu.memory_space<hbm>>
    tpu.enqueue_indirect_dma source(%dma_start3A_79 : memref<1000000xf32, #tpu.memory_space<hbm>>) target(%dma_start3A_75 : memref<128xf32, #tpu.memory_space<vmem>>) offsets(%dma_start3A_77 : memref<128xi32, #tpu.memory_space<vmem>>) semaphore(%arg16 : memref<!tpu.dma_semaphore, #tpu.memory_space<semaphore_mem>>)
    %dma_start3A_80 = arith.constant 256 : i32
    %dma_start3A_81 = tpu.memref_slice %arg14[%dma_start3A_80] : memref<512xf32, #tpu.memory_space<vmem>> -> memref<128xf32, #tpu.memory_space<vmem>>
    %dma_start3A_82 = arith.constant 256 : i32
    %dma_start3A_83 = tpu.memref_slice %arg10[%dma_start3A_82] : memref<512xi32, #tpu.memory_space<vmem>> -> memref<128xi32, #tpu.memory_space<vmem>>
    %dma_start3A_84 = arith.constant 0 : i32
    %dma_start3A_85 = tpu.memref_slice %arg7[%dma_start3A_84] : memref<1000000xf32, #tpu.memory_space<hbm>> -> memref<1000000xf32, #tpu.memory_space<hbm>>
    tpu.enqueue_indirect_dma source(%dma_start3A_85 : memref<1000000xf32, #tpu.memory_space<hbm>>) target(%dma_start3A_81 : memref<128xf32, #tpu.memory_space<vmem>>) offsets(%dma_start3A_83 : memref<128xi32, #tpu.memory_space<vmem>>) semaphore(%arg16 : memref<!tpu.dma_semaphore, #tpu.memory_space<semaphore_mem>>)
    %dma_start3A_86 = arith.constant 384 : i32
    %dma_start3A_87 = arith.constant 0 : i32
    %dma_start3A_88 = tpu.memref_slice %arg11[%dma_start3A_86, %dma_start3A_87] : memref<512x64xf32, #tpu.memory_space<vmem>> -> memref<128x64xf32, #tpu.memory_space<vmem>>
    %dma_start3A_89 = arith.constant 384 : i32
    %dma_start3A_90 = tpu.memref_slice %arg9[%dma_start3A_89] : memref<512xi32, #tpu.memory_space<vmem>> -> memref<128xi32, #tpu.memory_space<vmem>>
    %dma_start3A_91 = arith.constant 0 : i32
    %dma_start3A_92 = arith.constant 0 : i32
    %dma_start3A_93 = tpu.memref_slice %arg4[%dma_start3A_91, %dma_start3A_92] : memref<1000000x64xf32, #tpu.memory_space<hbm>> -> memref<1000000x64xf32, #tpu.memory_space<hbm>>
    tpu.enqueue_indirect_dma source(%dma_start3A_93 : memref<1000000x64xf32, #tpu.memory_space<hbm>>) target(%dma_start3A_88 : memref<128x64xf32, #tpu.memory_space<vmem>>) offsets(%dma_start3A_90 : memref<128xi32, #tpu.memory_space<vmem>>) semaphore(%arg16 : memref<!tpu.dma_semaphore, #tpu.memory_space<semaphore_mem>>)
    %dma_start3A_94 = arith.constant 384 : i32
    %dma_start3A_95 = arith.constant 0 : i32
    %dma_start3A_96 = tpu.memref_slice %arg12[%dma_start3A_94, %dma_start3A_95] : memref<512x64xf32, #tpu.memory_space<vmem>> -> memref<128x64xf32, #tpu.memory_space<vmem>>
    %dma_start3A_97 = arith.constant 384 : i32
    %dma_start3A_98 = tpu.memref_slice %arg10[%dma_start3A_97] : memref<512xi32, #tpu.memory_space<vmem>> -> memref<128xi32, #tpu.memory_space<vmem>>
    %dma_start3A_99 = arith.constant 0 : i32
    %dma_start3A_100 = arith.constant 0 : i32
    %dma_start3A_101 = tpu.memref_slice %arg5[%dma_start3A_99, %dma_start3A_100] : memref<1000000x64xf32, #tpu.memory_space<hbm>> -> memref<1000000x64xf32, #tpu.memory_space<hbm>>
    tpu.enqueue_indirect_dma source(%dma_start3A_101 : memref<1000000x64xf32, #tpu.memory_space<hbm>>) target(%dma_start3A_96 : memref<128x64xf32, #tpu.memory_space<vmem>>) offsets(%dma_start3A_98 : memref<128xi32, #tpu.memory_space<vmem>>) semaphore(%arg16 : memref<!tpu.dma_semaphore, #tpu.memory_space<semaphore_mem>>)
    %dma_start3A_102 = arith.constant 384 : i32
    %dma_start3A_103 = tpu.memref_slice %arg13[%dma_start3A_102] : memref<512xf32, #tpu.memory_space<vmem>> -> memref<128xf32, #tpu.memory_space<vmem>>
    %dma_start3A_104 = arith.constant 384 : i32
    %dma_start3A_105 = tpu.memref_slice %arg9[%dma_start3A_104] : memref<512xi32, #tpu.memory_space<vmem>> -> memref<128xi32, #tpu.memory_space<vmem>>
    %dma_start3A_106 = arith.constant 0 : i32
    %dma_start3A_107 = tpu.memref_slice %arg6[%dma_start3A_106] : memref<1000000xf32, #tpu.memory_space<hbm>> -> memref<1000000xf32, #tpu.memory_space<hbm>>
    tpu.enqueue_indirect_dma source(%dma_start3A_107 : memref<1000000xf32, #tpu.memory_space<hbm>>) target(%dma_start3A_103 : memref<128xf32, #tpu.memory_space<vmem>>) offsets(%dma_start3A_105 : memref<128xi32, #tpu.memory_space<vmem>>) semaphore(%arg16 : memref<!tpu.dma_semaphore, #tpu.memory_space<semaphore_mem>>)
    %dma_start3A_108 = arith.constant 384 : i32
    %dma_start3A_109 = tpu.memref_slice %arg14[%dma_start3A_108] : memref<512xf32, #tpu.memory_space<vmem>> -> memref<128xf32, #tpu.memory_space<vmem>>
    %dma_start3A_110 = arith.constant 384 : i32
    %dma_start3A_111 = tpu.memref_slice %arg10[%dma_start3A_110] : memref<512xi32, #tpu.memory_space<vmem>> -> memref<128xi32, #tpu.memory_space<vmem>>
    %dma_start3A_112 = arith.constant 0 : i32
    %dma_start3A_113 = tpu.memref_slice %arg7[%dma_start3A_112] : memref<1000000xf32, #tpu.memory_space<hbm>> -> memref<1000000xf32, #tpu.memory_space<hbm>>
    tpu.enqueue_indirect_dma source(%dma_start3A_113 : memref<1000000xf32, #tpu.memory_space<hbm>>) target(%dma_start3A_109 : memref<128xf32, #tpu.memory_space<vmem>>) offsets(%dma_start3A_111 : memref<128xi32, #tpu.memory_space<vmem>>) semaphore(%arg16 : memref<!tpu.dma_semaphore, #tpu.memory_space<semaphore_mem>>)
    %dma_wait3A = arith.constant 0 : i32
    %dma_wait3A_114 = arith.constant 0 : i32
    %dma_wait3A_115 = tpu.memref_slice %arg11[%dma_wait3A, %dma_wait3A_114] : memref<512x64xf32, #tpu.memory_space<vmem>> -> memref<128x64xf32, #tpu.memory_space<vmem>>
    %dma_wait3A_116 = arith.constant 0 : i32
    %dma_wait3A_117 = tpu.memref_slice %arg9[%dma_wait3A_116] : memref<512xi32, #tpu.memory_space<vmem>> -> memref<128xi32, #tpu.memory_space<vmem>>
    %dma_wait3A_118 = arith.constant 0 : i32
    %dma_wait3A_119 = arith.constant 0 : i32
    %dma_wait3A_120 = tpu.memref_slice %arg4[%dma_wait3A_118, %dma_wait3A_119] : memref<1000000x64xf32, #tpu.memory_space<hbm>> -> memref<1000000x64xf32, #tpu.memory_space<hbm>>
    tpu.wait_indirect_dma semaphore(%arg16 : memref<!tpu.dma_semaphore, #tpu.memory_space<semaphore_mem>>) src(%dma_wait3A_120 : memref<1000000x64xf32, #tpu.memory_space<hbm>>) dst(%dma_wait3A_115 : memref<128x64xf32, #tpu.memory_space<vmem>>)
    %dma_wait3A_121 = arith.constant 0 : i32
    %dma_wait3A_122 = arith.constant 0 : i32
    %dma_wait3A_123 = tpu.memref_slice %arg12[%dma_wait3A_121, %dma_wait3A_122] : memref<512x64xf32, #tpu.memory_space<vmem>> -> memref<128x64xf32, #tpu.memory_space<vmem>>
    %dma_wait3A_124 = arith.constant 0 : i32
    %dma_wait3A_125 = tpu.memref_slice %arg10[%dma_wait3A_124] : memref<512xi32, #tpu.memory_space<vmem>> -> memref<128xi32, #tpu.memory_space<vmem>>
    %dma_wait3A_126 = arith.constant 0 : i32
    %dma_wait3A_127 = arith.constant 0 : i32
    %dma_wait3A_128 = tpu.memref_slice %arg5[%dma_wait3A_126, %dma_wait3A_127] : memref<1000000x64xf32, #tpu.memory_space<hbm>> -> memref<1000000x64xf32, #tpu.memory_space<hbm>>
    tpu.wait_indirect_dma semaphore(%arg16 : memref<!tpu.dma_semaphore, #tpu.memory_space<semaphore_mem>>) src(%dma_wait3A_128 : memref<1000000x64xf32, #tpu.memory_space<hbm>>) dst(%dma_wait3A_123 : memref<128x64xf32, #tpu.memory_space<vmem>>)
    %dma_wait3A_129 = arith.constant 0 : i32
    %dma_wait3A_130 = tpu.memref_slice %arg13[%dma_wait3A_129] : memref<512xf32, #tpu.memory_space<vmem>> -> memref<128xf32, #tpu.memory_space<vmem>>
    %dma_wait3A_131 = arith.constant 0 : i32
    %dma_wait3A_132 = tpu.memref_slice %arg9[%dma_wait3A_131] : memref<512xi32, #tpu.memory_space<vmem>> -> memref<128xi32, #tpu.memory_space<vmem>>
    %dma_wait3A_133 = arith.constant 0 : i32
    %dma_wait3A_134 = tpu.memref_slice %arg6[%dma_wait3A_133] : memref<1000000xf32, #tpu.memory_space<hbm>> -> memref<1000000xf32, #tpu.memory_space<hbm>>
    tpu.wait_indirect_dma semaphore(%arg16 : memref<!tpu.dma_semaphore, #tpu.memory_space<semaphore_mem>>) src(%dma_wait3A_134 : memref<1000000xf32, #tpu.memory_space<hbm>>) dst(%dma_wait3A_130 : memref<128xf32, #tpu.memory_space<vmem>>)
    %dma_wait3A_135 = arith.constant 0 : i32
    %dma_wait3A_136 = tpu.memref_slice %arg14[%dma_wait3A_135] : memref<512xf32, #tpu.memory_space<vmem>> -> memref<128xf32, #tpu.memory_space<vmem>>
    %dma_wait3A_137 = arith.constant 0 : i32
    %dma_wait3A_138 = tpu.memref_slice %arg10[%dma_wait3A_137] : memref<512xi32, #tpu.memory_space<vmem>> -> memref<128xi32, #tpu.memory_space<vmem>>
    %dma_wait3A_139 = arith.constant 0 : i32
    %dma_wait3A_140 = tpu.memref_slice %arg7[%dma_wait3A_139] : memref<1000000xf32, #tpu.memory_space<hbm>> -> memref<1000000xf32, #tpu.memory_space<hbm>>
    tpu.wait_indirect_dma semaphore(%arg16 : memref<!tpu.dma_semaphore, #tpu.memory_space<semaphore_mem>>) src(%dma_wait3A_140 : memref<1000000xf32, #tpu.memory_space<hbm>>) dst(%dma_wait3A_136 : memref<128xf32, #tpu.memory_space<vmem>>)
    %dma_wait3A_141 = arith.constant 128 : i32
    %dma_wait3A_142 = arith.constant 0 : i32
    %dma_wait3A_143 = tpu.memref_slice %arg11[%dma_wait3A_141, %dma_wait3A_142] : memref<512x64xf32, #tpu.memory_space<vmem>> -> memref<128x64xf32, #tpu.memory_space<vmem>>
    %dma_wait3A_144 = arith.constant 128 : i32
    %dma_wait3A_145 = tpu.memref_slice %arg9[%dma_wait3A_144] : memref<512xi32, #tpu.memory_space<vmem>> -> memref<128xi32, #tpu.memory_space<vmem>>
    %dma_wait3A_146 = arith.constant 0 : i32
    %dma_wait3A_147 = arith.constant 0 : i32
    %dma_wait3A_148 = tpu.memref_slice %arg4[%dma_wait3A_146, %dma_wait3A_147] : memref<1000000x64xf32, #tpu.memory_space<hbm>> -> memref<1000000x64xf32, #tpu.memory_space<hbm>>
    tpu.wait_indirect_dma semaphore(%arg16 : memref<!tpu.dma_semaphore, #tpu.memory_space<semaphore_mem>>) src(%dma_wait3A_148 : memref<1000000x64xf32, #tpu.memory_space<hbm>>) dst(%dma_wait3A_143 : memref<128x64xf32, #tpu.memory_space<vmem>>)
    %dma_wait3A_149 = arith.constant 128 : i32
    %dma_wait3A_150 = arith.constant 0 : i32
    %dma_wait3A_151 = tpu.memref_slice %arg12[%dma_wait3A_149, %dma_wait3A_150] : memref<512x64xf32, #tpu.memory_space<vmem>> -> memref<128x64xf32, #tpu.memory_space<vmem>>
    %dma_wait3A_152 = arith.constant 128 : i32
    %dma_wait3A_153 = tpu.memref_slice %arg10[%dma_wait3A_152] : memref<512xi32, #tpu.memory_space<vmem>> -> memref<128xi32, #tpu.memory_space<vmem>>
    %dma_wait3A_154 = arith.constant 0 : i32
    %dma_wait3A_155 = arith.constant 0 : i32
    %dma_wait3A_156 = tpu.memref_slice %arg5[%dma_wait3A_154, %dma_wait3A_155] : memref<1000000x64xf32, #tpu.memory_space<hbm>> -> memref<1000000x64xf32, #tpu.memory_space<hbm>>
    tpu.wait_indirect_dma semaphore(%arg16 : memref<!tpu.dma_semaphore, #tpu.memory_space<semaphore_mem>>) src(%dma_wait3A_156 : memref<1000000x64xf32, #tpu.memory_space<hbm>>) dst(%dma_wait3A_151 : memref<128x64xf32, #tpu.memory_space<vmem>>)
    %dma_wait3A_157 = arith.constant 128 : i32
    %dma_wait3A_158 = tpu.memref_slice %arg13[%dma_wait3A_157] : memref<512xf32, #tpu.memory_space<vmem>> -> memref<128xf32, #tpu.memory_space<vmem>>
    %dma_wait3A_159 = arith.constant 128 : i32
    %dma_wait3A_160 = tpu.memref_slice %arg9[%dma_wait3A_159] : memref<512xi32, #tpu.memory_space<vmem>> -> memref<128xi32, #tpu.memory_space<vmem>>
    %dma_wait3A_161 = arith.constant 0 : i32
    %dma_wait3A_162 = tpu.memref_slice %arg6[%dma_wait3A_161] : memref<1000000xf32, #tpu.memory_space<hbm>> -> memref<1000000xf32, #tpu.memory_space<hbm>>
    tpu.wait_indirect_dma semaphore(%arg16 : memref<!tpu.dma_semaphore, #tpu.memory_space<semaphore_mem>>) src(%dma_wait3A_162 : memref<1000000xf32, #tpu.memory_space<hbm>>) dst(%dma_wait3A_158 : memref<128xf32, #tpu.memory_space<vmem>>)
    %dma_wait3A_163 = arith.constant 128 : i32
    %dma_wait3A_164 = tpu.memref_slice %arg14[%dma_wait3A_163] : memref<512xf32, #tpu.memory_space<vmem>> -> memref<128xf32, #tpu.memory_space<vmem>>
    %dma_wait3A_165 = arith.constant 128 : i32
    %dma_wait3A_166 = tpu.memref_slice %arg10[%dma_wait3A_165] : memref<512xi32, #tpu.memory_space<vmem>> -> memref<128xi32, #tpu.memory_space<vmem>>
    %dma_wait3A_167 = arith.constant 0 : i32
    %dma_wait3A_168 = tpu.memref_slice %arg7[%dma_wait3A_167] : memref<1000000xf32, #tpu.memory_space<hbm>> -> memref<1000000xf32, #tpu.memory_space<hbm>>
    tpu.wait_indirect_dma semaphore(%arg16 : memref<!tpu.dma_semaphore, #tpu.memory_space<semaphore_mem>>) src(%dma_wait3A_168 : memref<1000000xf32, #tpu.memory_space<hbm>>) dst(%dma_wait3A_164 : memref<128xf32, #tpu.memory_space<vmem>>)
    %dma_wait3A_169 = arith.constant 256 : i32
    %dma_wait3A_170 = arith.constant 0 : i32
    %dma_wait3A_171 = tpu.memref_slice %arg11[%dma_wait3A_169, %dma_wait3A_170] : memref<512x64xf32, #tpu.memory_space<vmem>> -> memref<128x64xf32, #tpu.memory_space<vmem>>
    %dma_wait3A_172 = arith.constant 256 : i32
    %dma_wait3A_173 = tpu.memref_slice %arg9[%dma_wait3A_172] : memref<512xi32, #tpu.memory_space<vmem>> -> memref<128xi32, #tpu.memory_space<vmem>>
    %dma_wait3A_174 = arith.constant 0 : i32
    %dma_wait3A_175 = arith.constant 0 : i32
    %dma_wait3A_176 = tpu.memref_slice %arg4[%dma_wait3A_174, %dma_wait3A_175] : memref<1000000x64xf32, #tpu.memory_space<hbm>> -> memref<1000000x64xf32, #tpu.memory_space<hbm>>
    tpu.wait_indirect_dma semaphore(%arg16 : memref<!tpu.dma_semaphore, #tpu.memory_space<semaphore_mem>>) src(%dma_wait3A_176 : memref<1000000x64xf32, #tpu.memory_space<hbm>>) dst(%dma_wait3A_171 : memref<128x64xf32, #tpu.memory_space<vmem>>)
    %dma_wait3A_177 = arith.constant 256 : i32
    %dma_wait3A_178 = arith.constant 0 : i32
    %dma_wait3A_179 = tpu.memref_slice %arg12[%dma_wait3A_177, %dma_wait3A_178] : memref<512x64xf32, #tpu.memory_space<vmem>> -> memref<128x64xf32, #tpu.memory_space<vmem>>
    %dma_wait3A_180 = arith.constant 256 : i32
    %dma_wait3A_181 = tpu.memref_slice %arg10[%dma_wait3A_180] : memref<512xi32, #tpu.memory_space<vmem>> -> memref<128xi32, #tpu.memory_space<vmem>>
    %dma_wait3A_182 = arith.constant 0 : i32
    %dma_wait3A_183 = arith.constant 0 : i32
    %dma_wait3A_184 = tpu.memref_slice %arg5[%dma_wait3A_182, %dma_wait3A_183] : memref<1000000x64xf32, #tpu.memory_space<hbm>> -> memref<1000000x64xf32, #tpu.memory_space<hbm>>
    tpu.wait_indirect_dma semaphore(%arg16 : memref<!tpu.dma_semaphore, #tpu.memory_space<semaphore_mem>>) src(%dma_wait3A_184 : memref<1000000x64xf32, #tpu.memory_space<hbm>>) dst(%dma_wait3A_179 : memref<128x64xf32, #tpu.memory_space<vmem>>)
    %dma_wait3A_185 = arith.constant 256 : i32
    %dma_wait3A_186 = tpu.memref_slice %arg13[%dma_wait3A_185] : memref<512xf32, #tpu.memory_space<vmem>> -> memref<128xf32, #tpu.memory_space<vmem>>
    %dma_wait3A_187 = arith.constant 256 : i32
    %dma_wait3A_188 = tpu.memref_slice %arg9[%dma_wait3A_187] : memref<512xi32, #tpu.memory_space<vmem>> -> memref<128xi32, #tpu.memory_space<vmem>>
    %dma_wait3A_189 = arith.constant 0 : i32
    %dma_wait3A_190 = tpu.memref_slice %arg6[%dma_wait3A_189] : memref<1000000xf32, #tpu.memory_space<hbm>> -> memref<1000000xf32, #tpu.memory_space<hbm>>
    tpu.wait_indirect_dma semaphore(%arg16 : memref<!tpu.dma_semaphore, #tpu.memory_space<semaphore_mem>>) src(%dma_wait3A_190 : memref<1000000xf32, #tpu.memory_space<hbm>>) dst(%dma_wait3A_186 : memref<128xf32, #tpu.memory_space<vmem>>)
    %dma_wait3A_191 = arith.constant 256 : i32
    %dma_wait3A_192 = tpu.memref_slice %arg14[%dma_wait3A_191] : memref<512xf32, #tpu.memory_space<vmem>> -> memref<128xf32, #tpu.memory_space<vmem>>
    %dma_wait3A_193 = arith.constant 256 : i32
    %dma_wait3A_194 = tpu.memref_slice %arg10[%dma_wait3A_193] : memref<512xi32, #tpu.memory_space<vmem>> -> memref<128xi32, #tpu.memory_space<vmem>>
    %dma_wait3A_195 = arith.constant 0 : i32
    %dma_wait3A_196 = tpu.memref_slice %arg7[%dma_wait3A_195] : memref<1000000xf32, #tpu.memory_space<hbm>> -> memref<1000000xf32, #tpu.memory_space<hbm>>
    tpu.wait_indirect_dma semaphore(%arg16 : memref<!tpu.dma_semaphore, #tpu.memory_space<semaphore_mem>>) src(%dma_wait3A_196 : memref<1000000xf32, #tpu.memory_space<hbm>>) dst(%dma_wait3A_192 : memref<128xf32, #tpu.memory_space<vmem>>)
    %dma_wait3A_197 = arith.constant 384 : i32
    %dma_wait3A_198 = arith.constant 0 : i32
    %dma_wait3A_199 = tpu.memref_slice %arg11[%dma_wait3A_197, %dma_wait3A_198] : memref<512x64xf32, #tpu.memory_space<vmem>> -> memref<128x64xf32, #tpu.memory_space<vmem>>
    %dma_wait3A_200 = arith.constant 384 : i32
    %dma_wait3A_201 = tpu.memref_slice %arg9[%dma_wait3A_200] : memref<512xi32, #tpu.memory_space<vmem>> -> memref<128xi32, #tpu.memory_space<vmem>>
    %dma_wait3A_202 = arith.constant 0 : i32
    %dma_wait3A_203 = arith.constant 0 : i32
    %dma_wait3A_204 = tpu.memref_slice %arg4[%dma_wait3A_202, %dma_wait3A_203] : memref<1000000x64xf32, #tpu.memory_space<hbm>> -> memref<1000000x64xf32, #tpu.memory_space<hbm>>
    tpu.wait_indirect_dma semaphore(%arg16 : memref<!tpu.dma_semaphore, #tpu.memory_space<semaphore_mem>>) src(%dma_wait3A_204 : memref<1000000x64xf32, #tpu.memory_space<hbm>>) dst(%dma_wait3A_199 : memref<128x64xf32, #tpu.memory_space<vmem>>)
    %dma_wait3A_205 = arith.constant 384 : i32
    %dma_wait3A_206 = arith.constant 0 : i32
    %dma_wait3A_207 = tpu.memref_slice %arg12[%dma_wait3A_205, %dma_wait3A_206] : memref<512x64xf32, #tpu.memory_space<vmem>> -> memref<128x64xf32, #tpu.memory_space<vmem>>
    %dma_wait3A_208 = arith.constant 384 : i32
    %dma_wait3A_209 = tpu.memref_slice %arg10[%dma_wait3A_208] : memref<512xi32, #tpu.memory_space<vmem>> -> memref<128xi32, #tpu.memory_space<vmem>>
    %dma_wait3A_210 = arith.constant 0 : i32
    %dma_wait3A_211 = arith.constant 0 : i32
    %dma_wait3A_212 = tpu.memref_slice %arg5[%dma_wait3A_210, %dma_wait3A_211] : memref<1000000x64xf32, #tpu.memory_space<hbm>> -> memref<1000000x64xf32, #tpu.memory_space<hbm>>
    tpu.wait_indirect_dma semaphore(%arg16 : memref<!tpu.dma_semaphore, #tpu.memory_space<semaphore_mem>>) src(%dma_wait3A_212 : memref<1000000x64xf32, #tpu.memory_space<hbm>>) dst(%dma_wait3A_207 : memref<128x64xf32, #tpu.memory_space<vmem>>)
    %dma_wait3A_213 = arith.constant 384 : i32
    %dma_wait3A_214 = tpu.memref_slice %arg13[%dma_wait3A_213] : memref<512xf32, #tpu.memory_space<vmem>> -> memref<128xf32, #tpu.memory_space<vmem>>
    %dma_wait3A_215 = arith.constant 384 : i32
    %dma_wait3A_216 = tpu.memref_slice %arg9[%dma_wait3A_215] : memref<512xi32, #tpu.memory_space<vmem>> -> memref<128xi32, #tpu.memory_space<vmem>>
    %dma_wait3A_217 = arith.constant 0 : i32
    %dma_wait3A_218 = tpu.memref_slice %arg6[%dma_wait3A_217] : memref<1000000xf32, #tpu.memory_space<hbm>> -> memref<1000000xf32, #tpu.memory_space<hbm>>
    tpu.wait_indirect_dma semaphore(%arg16 : memref<!tpu.dma_semaphore, #tpu.memory_space<semaphore_mem>>) src(%dma_wait3A_218 : memref<1000000xf32, #tpu.memory_space<hbm>>) dst(%dma_wait3A_214 : memref<128xf32, #tpu.memory_space<vmem>>)
    %dma_wait3A_219 = arith.constant 384 : i32
    %dma_wait3A_220 = tpu.memref_slice %arg14[%dma_wait3A_219] : memref<512xf32, #tpu.memory_space<vmem>> -> memref<128xf32, #tpu.memory_space<vmem>>
    %dma_wait3A_221 = arith.constant 384 : i32
    %dma_wait3A_222 = tpu.memref_slice %arg10[%dma_wait3A_221] : memref<512xi32, #tpu.memory_space<vmem>> -> memref<128xi32, #tpu.memory_space<vmem>>
    %dma_wait3A_223 = arith.constant 0 : i32
    %dma_wait3A_224 = tpu.memref_slice %arg7[%dma_wait3A_223] : memref<1000000xf32, #tpu.memory_space<hbm>> -> memref<1000000xf32, #tpu.memory_space<hbm>>
    tpu.wait_indirect_dma semaphore(%arg16 : memref<!tpu.dma_semaphore, #tpu.memory_space<semaphore_mem>>) src(%dma_wait3A_224 : memref<1000000xf32, #tpu.memory_space<hbm>>) dst(%dma_wait3A_220 : memref<128xf32, #tpu.memory_space<vmem>>)
    %scan3A = arith.constant 0 : i32
    %scan3A_225 = arith.constant 32 : i32
    %scan3A_226 = arith.addi %scan3A, %scan3A_225 : i32
    %scan3A_227 = arith.constant 1 : i32
    scf.for %scan3A_229 = %scan3A to %scan3A_226 step %scan3A_227  : i32 {
      %mul3A_230 = arith.constant 16 : i32
      %mul3A_231 = arith.muli %scan3A_229, %mul3A_230 : i32
      %get3A = arith.index_cast %mul3A_231 : i32 to index
      %get3A_232 = tpu.vector_load %arg13[%get3A] {strides = array<i32>} : memref<512xf32, #tpu.memory_space<vmem>>, vector<16xf32>,
      %get3A_233 = vector.shape_cast %get3A_232 : vector<16xf32> to vector<16xf32>
      %get3A_234 = arith.index_cast %mul3A_231 : i32 to index
      %get3A_235 = tpu.vector_load %arg14[%get3A_234] {strides = array<i32>} : memref<512xf32, #tpu.memory_space<vmem>>, vector<16xf32>,
      %get3A_236 = vector.shape_cast %get3A_235 : vector<16xf32> to vector<16xf32>
      %add3A_237 = arith.constant 0 : i32
      %add3A_238 = arith.addi %mul3A_231, %add3A_237 : i32
      %slice3A = vector.extract_strided_slice %get3A_233 {offsets = [0], sizes = [1], strides = [1]} : vector<16xf32> to vector<1xf32>
      %squeeze3A = vector.extract %slice3A[0] : f32 from vector<1xf32>
      %slice3A_239 = vector.extract_strided_slice %get3A_236 {offsets = [0], sizes = [1], strides = [1]} : vector<16xf32> to vector<1xf32>
      %squeeze3A_240 = vector.extract %slice3A_239[0] : f32 from vector<1xf32>
      %get3A_241 = arith.index_cast %add3A_238 : i32 to index
      %get3A_242 = arith.constant 0 : index
      %get3A_243 = tpu.vector_load %arg11[%get3A_241, %get3A_242] {strides = array<i32>} : memref<512x64xf32, #tpu.memory_space<vmem>>, vector<1x16xf32>,
      %get3A_244 = vector.shape_cast %get3A_243 : vector<1x16xf32> to vector<16xf32>
      %add3A_245 = vector.broadcast %squeeze3A : f32 to vector<16xf32>
      %add3A_246 = arith.addf %get3A_244, %add3A_245 : vector<16xf32>
      %get3A_247 = arith.index_cast %add3A_238 : i32 to index
      %get3A_248 = arith.constant 0 : index
      %get3A_249 = tpu.vector_load %arg12[%get3A_247, %get3A_248] {strides = array<i32>} : memref<512x64xf32, #tpu.memory_space<vmem>>, vector<1x16xf32>,
      %get3A_250 = vector.shape_cast %get3A_249 : vector<1x16xf32> to vector<16xf32>
      %add3A_251 = vector.broadcast %squeeze3A_240 : f32 to vector<16xf32>
      %add3A_252 = arith.addf %get3A_250, %add3A_251 : vector<16xf32>
      %mul3A_253 = arith.mulf %add3A_246, %add3A_252 : vector<16xf32>
      %get3A_254 = arith.index_cast %add3A_238 : i32 to index
      %get3A_255 = arith.constant 16 : index
      %get3A_256 = tpu.vector_load %arg11[%get3A_254, %get3A_255] {strides = array<i32>} : memref<512x64xf32, #tpu.memory_space<vmem>>, vector<1x16xf32>,
      %get3A_257 = vector.shape_cast %get3A_256 : vector<1x16xf32> to vector<16xf32>
      %add3A_258 = vector.broadcast %squeeze3A : f32 to vector<16xf32>
      %add3A_259 = arith.addf %get3A_257, %add3A_258 : vector<16xf32>
      %get3A_260 = arith.index_cast %add3A_238 : i32 to index
      %get3A_261 = arith.constant 16 : index
      %get3A_262 = tpu.vector_load %arg12[%get3A_260, %get3A_261] {strides = array<i32>} : memref<512x64xf32, #tpu.memory_space<vmem>>, vector<1x16xf32>,
      %get3A_263 = vector.shape_cast %get3A_262 : vector<1x16xf32> to vector<16xf32>
      %add3A_264 = vector.broadcast %squeeze3A_240 : f32 to vector<16xf32>
      %add3A_265 = arith.addf %get3A_263, %add3A_264 : vector<16xf32>
      %mul3A_266 = arith.mulf %add3A_259, %add3A_265 : vector<16xf32>
      %add3A_267 = arith.addf %mul3A_253, %mul3A_266 : vector<16xf32>
      %get3A_268 = arith.index_cast %add3A_238 : i32 to index
      %get3A_269 = arith.constant 32 : index
      %get3A_270 = tpu.vector_load %arg11[%get3A_268, %get3A_269] {strides = array<i32>} : memref<512x64xf32, #tpu.memory_space<vmem>>, vector<1x16xf32>,
      %get3A_271 = vector.shape_cast %get3A_270 : vector<1x16xf32> to vector<16xf32>
      %add3A_272 = vector.broadcast %squeeze3A : f32 to vector<16xf32>
      %add3A_273 = arith.addf %get3A_271, %add3A_272 : vector<16xf32>
      %get3A_274 = arith.index_cast %add3A_238 : i32 to index
      %get3A_275 = arith.constant 32 : index
      %get3A_276 = tpu.vector_load %arg12[%get3A_274, %get3A_275] {strides = array<i32>} : memref<512x64xf32, #tpu.memory_space<vmem>>, vector<1x16xf32>,
      %get3A_277 = vector.shape_cast %get3A_276 : vector<1x16xf32> to vector<16xf32>
      %add3A_278 = vector.broadcast %squeeze3A_240 : f32 to vector<16xf32>
      %add3A_279 = arith.addf %get3A_277, %add3A_278 : vector<16xf32>
      %mul3A_280 = arith.mulf %add3A_273, %add3A_279 : vector<16xf32>
      %add3A_281 = arith.addf %add3A_267, %mul3A_280 : vector<16xf32>
      %get3A_282 = arith.index_cast %add3A_238 : i32 to index
      %get3A_283 = arith.constant 48 : index
      %get3A_284 = tpu.vector_load %arg11[%get3A_282, %get3A_283] {strides = array<i32>} : memref<512x64xf32, #tpu.memory_space<vmem>>, vector<1x16xf32>,
      %get3A_285 = vector.shape_cast %get3A_284 : vector<1x16xf32> to vector<16xf32>
      %add3A_286 = vector.broadcast %squeeze3A : f32 to vector<16xf32>
      %add3A_287 = arith.addf %get3A_285, %add3A_286 : vector<16xf32>
      %get3A_288 = arith.index_cast %add3A_238 : i32 to index
      %get3A_289 = arith.constant 48 : index
      %get3A_290 = tpu.vector_load %arg12[%get3A_288, %get3A_289] {strides = array<i32>} : memref<512x64xf32, #tpu.memory_space<vmem>>, vector<1x16xf32>,
      %get3A_291 = vector.shape_cast %get3A_290 : vector<1x16xf32> to vector<16xf32>
      %add3A_292 = vector.broadcast %squeeze3A_240 : f32 to vector<16xf32>
      %add3A_293 = arith.addf %get3A_291, %add3A_292 : vector<16xf32>
      %mul3A_294 = arith.mulf %add3A_287, %add3A_293 : vector<16xf32>
      %add3A_295 = arith.addf %add3A_281, %mul3A_294 : vector<16xf32>
      %swap3A = arith.index_cast %add3A_238 : i32 to index
      %swap3A_296 = arith.constant 0 : index
      %swap3A_297 = tpu.vector_load %arg15[%swap3A, %swap3A_296] {strides = array<i32>} : memref<512x16xf32, #tpu.memory_space<vmem>>, vector<1x16xf32>,
      %swap3A_298 = vector.shape_cast %swap3A_297 : vector<1x16xf32> to vector<16xf32>
      %swap3A_299 = vector.shape_cast %add3A_295 : vector<16xf32> to vector<1x16xf32>
      tpu.vector_store %arg15[%swap3A, %swap3A_296], %swap3A_299 {strides = array<i32>} : memref<512x16xf32, #tpu.memory_space<vmem>>, vector<1x16xf32>,
      %add3A_300 = arith.constant 1 : i32
      %add3A_301 = arith.addi %mul3A_231, %add3A_300 : i32
      %slice3A_302 = vector.extract_strided_slice %get3A_233 {offsets = [1], sizes = [1], strides = [1]} : vector<16xf32> to vector<1xf32>
      %squeeze3A_303 = vector.extract %slice3A_302[0] : f32 from vector<1xf32>
      %slice3A_304 = vector.extract_strided_slice %get3A_236 {offsets = [1], sizes = [1], strides = [1]} : vector<16xf32> to vector<1xf32>
      %squeeze3A_305 = vector.extract %slice3A_304[0] : f32 from vector<1xf32>
      %get3A_306 = arith.index_cast %add3A_301 : i32 to index
      %get3A_307 = arith.constant 0 : index
      %get3A_308 = tpu.vector_load %arg11[%get3A_306, %get3A_307] {strides = array<i32>} : memref<512x64xf32, #tpu.memory_space<vmem>>, vector<1x16xf32>,
      %get3A_309 = vector.shape_cast %get3A_308 : vector<1x16xf32> to vector<16xf32>
      %add3A_310 = vector.broadcast %squeeze3A_303 : f32 to vector<16xf32>
      %add3A_311 = arith.addf %get3A_309, %add3A_310 : vector<16xf32>
      %get3A_312 = arith.index_cast %add3A_301 : i32 to index
      %get3A_313 = arith.constant 0 : index
      %get3A_314 = tpu.vector_load %arg12[%get3A_312, %get3A_313] {strides = array<i32>} : memref<512x64xf32, #tpu.memory_space<vmem>>, vector<1x16xf32>,
      %get3A_315 = vector.shape_cast %get3A_314 : vector<1x16xf32> to vector<16xf32>
      %add3A_316 = vector.broadcast %squeeze3A_305 : f32 to vector<16xf32>
      %add3A_317 = arith.addf %get3A_315, %add3A_316 : vector<16xf32>
      %mul3A_318 = arith.mulf %add3A_311, %add3A_317 : vector<16xf32>
      %get3A_319 = arith.index_cast %add3A_301 : i32 to index
      %get3A_320 = arith.constant 16 : index
      %get3A_321 = tpu.vector_load %arg11[%get3A_319, %get3A_320] {strides = array<i32>} : memref<512x64xf32, #tpu.memory_space<vmem>>, vector<1x16xf32>,
      %get3A_322 = vector.shape_cast %get3A_321 : vector<1x16xf32> to vector<16xf32>
      %add3A_323 = vector.broadcast %squeeze3A_303 : f32 to vector<16xf32>
      %add3A_324 = arith.addf %get3A_322, %add3A_323 : vector<16xf32>
      %get3A_325 = arith.index_cast %add3A_301 : i32 to index
      %get3A_326 = arith.constant 16 : index
      %get3A_327 = tpu.vector_load %arg12[%get3A_325, %get3A_326] {strides = array<i32>} : memref<512x64xf32, #tpu.memory_space<vmem>>, vector<1x16xf32>,
      %get3A_328 = vector.shape_cast %get3A_327 : vector<1x16xf32> to vector<16xf32>
      %add3A_329 = vector.broadcast %squeeze3A_305 : f32 to vector<16xf32>
      %add3A_330 = arith.addf %get3A_328, %add3A_329 : vector<16xf32>
      %mul3A_331 = arith.mulf %add3A_324, %add3A_330 : vector<16xf32>
      %add3A_332 = arith.addf %mul3A_318, %mul3A_331 : vector<16xf32>
      %get3A_333 = arith.index_cast %add3A_301 : i32 to index
      %get3A_334 = arith.constant 32 : index
      %get3A_335 = tpu.vector_load %arg11[%get3A_333, %get3A_334] {strides = array<i32>} : memref<512x64xf32, #tpu.memory_space<vmem>>, vector<1x16xf32>,
      %get3A_336 = vector.shape_cast %get3A_335 : vector<1x16xf32> to vector<16xf32>
      %add3A_337 = vector.broadcast %squeeze3A_303 : f32 to vector<16xf32>
      %add3A_338 = arith.addf %get3A_336, %add3A_337 : vector<16xf32>
      %get3A_339 = arith.index_cast %add3A_301 : i32 to index
      %get3A_340 = arith.constant 32 : index
      %get3A_341 = tpu.vector_load %arg12[%get3A_339, %get3A_340] {strides = array<i32>} : memref<512x64xf32, #tpu.memory_space<vmem>>, vector<1x16xf32>,
      %get3A_342 = vector.shape_cast %get3A_341 : vector<1x16xf32> to vector<16xf32>
      %add3A_343 = vector.broadcast %squeeze3A_305 : f32 to vector<16xf32>
      %add3A_344 = arith.addf %get3A_342, %add3A_343 : vector<16xf32>
      %mul3A_345 = arith.mulf %add3A_338, %add3A_344 : vector<16xf32>
      %add3A_346 = arith.addf %add3A_332, %mul3A_345 : vector<16xf32>
      %get3A_347 = arith.index_cast %add3A_301 : i32 to index
      %get3A_348 = arith.constant 48 : index
      %get3A_349 = tpu.vector_load %arg11[%get3A_347, %get3A_348] {strides = array<i32>} : memref<512x64xf32, #tpu.memory_space<vmem>>, vector<1x16xf32>,
      %get3A_350 = vector.shape_cast %get3A_349 : vector<1x16xf32> to vector<16xf32>
      %add3A_351 = vector.broadcast %squeeze3A_303 : f32 to vector<16xf32>
      %add3A_352 = arith.addf %get3A_350, %add3A_351 : vector<16xf32>
      %get3A_353 = arith.index_cast %add3A_301 : i32 to index
      %get3A_354 = arith.constant 48 : index
      %get3A_355 = tpu.vector_load %arg12[%get3A_353, %get3A_354] {strides = array<i32>} : memref<512x64xf32, #tpu.memory_space<vmem>>, vector<1x16xf32>,
      %get3A_356 = vector.shape_cast %get3A_355 : vector<1x16xf32> to vector<16xf32>
      %add3A_357 = vector.broadcast %squeeze3A_305 : f32 to vector<16xf32>
      %add3A_358 = arith.addf %get3A_356, %add3A_357 : vector<16xf32>
      %mul3A_359 = arith.mulf %add3A_352, %add3A_358 : vector<16xf32>
      %add3A_360 = arith.addf %add3A_346, %mul3A_359 : vector<16xf32>
      %swap3A_361 = arith.index_cast %add3A_301 : i32 to index
      %swap3A_362 = arith.constant 0 : index
      %swap3A_363 = tpu.vector_load %arg15[%swap3A_361, %swap3A_362] {strides = array<i32>} : memref<512x16xf32, #tpu.memory_space<vmem>>, vector<1x16xf32>,
      %swap3A_364 = vector.shape_cast %swap3A_363 : vector<1x16xf32> to vector<16xf32>
      %swap3A_365 = vector.shape_cast %add3A_360 : vector<16xf32> to vector<1x16xf32>
      tpu.vector_store %arg15[%swap3A_361, %swap3A_362], %swap3A_365 {strides = array<i32>} : memref<512x16xf32, #tpu.memory_space<vmem>>, vector<1x16xf32>,
      %add3A_366 = arith.constant 2 : i32
      %add3A_367 = arith.addi %mul3A_231, %add3A_366 : i32
      %slice3A_368 = vector.extract_strided_slice %get3A_233 {offsets = [2], sizes = [1], strides = [1]} : vector<16xf32> to vector<1xf32>
      %squeeze3A_369 = vector.extract %slice3A_368[0] : f32 from vector<1xf32>
      %slice3A_370 = vector.extract_strided_slice %get3A_236 {offsets = [2], sizes = [1], strides = [1]} : vector<16xf32> to vector<1xf32>
      %squeeze3A_371 = vector.extract %slice3A_370[0] : f32 from vector<1xf32>
      %get3A_372 = arith.index_cast %add3A_367 : i32 to index
      %get3A_373 = arith.constant 0 : index
      %get3A_374 = tpu.vector_load %arg11[%get3A_372, %get3A_373] {strides = array<i32>} : memref<512x64xf32, #tpu.memory_space<vmem>>, vector<1x16xf32>,
      %get3A_375 = vector.shape_cast %get3A_374 : vector<1x16xf32> to vector<16xf32>
      %add3A_376 = vector.broadcast %squeeze3A_369 : f32 to vector<16xf32>
      %add3A_377 = arith.addf %get3A_375, %add3A_376 : vector<16xf32>
      %get3A_378 = arith.index_cast %add3A_367 : i32 to index
      %get3A_379 = arith.constant 0 : index
      %get3A_380 = tpu.vector_load %arg12[%get3A_378, %get3A_379] {strides = array<i32>} : memref<512x64xf32, #tpu.memory_space<vmem>>, vector<1x16xf32>,
      %get3A_381 = vector.shape_cast %get3A_380 : vector<1x16xf32> to vector<16xf32>
      %add3A_382 = vector.broadcast %squeeze3A_371 : f32 to vector<16xf32>
      %add3A_383 = arith.addf %get3A_381, %add3A_382 : vector<16xf32>
      %mul3A_384 = arith.mulf %add3A_377, %add3A_383 : vector<16xf32>
      %get3A_385 = arith.index_cast %add3A_367 : i32 to index
      %get3A_386 = arith.constant 16 : index
      %get3A_387 = tpu.vector_load %arg11[%get3A_385, %get3A_386] {strides = array<i32>} : memref<512x64xf32, #tpu.memory_space<vmem>>, vector<1x16xf32>,
      %get3A_388 = vector.shape_cast %get3A_387 : vector<1x16xf32> to vector<16xf32>
      %add3A_389 = vector.broadcast %squeeze3A_369 : f32 to vector<16xf32>
      %add3A_390 = arith.addf %get3A_388, %add3A_389 : vector<16xf32>
      %get3A_391 = arith.index_cast %add3A_367 : i32 to index
      %get3A_392 = arith.constant 16 : index
      %get3A_393 = tpu.vector_load %arg12[%get3A_391, %get3A_392] {strides = array<i32>} : memref<512x64xf32, #tpu.memory_space<vmem>>, vector<1x16xf32>,
      %get3A_394 = vector.shape_cast %get3A_393 : vector<1x16xf32> to vector<16xf32>
      %add3A_395 = vector.broadcast %squeeze3A_371 : f32 to vector<16xf32>
      %add3A_396 = arith.addf %get3A_394, %add3A_395 : vector<16xf32>
      %mul3A_397 = arith.mulf %add3A_390, %add3A_396 : vector<16xf32>
      %add3A_398 = arith.addf %mul3A_384, %mul3A_397 : vector<16xf32>
      %get3A_399 = arith.index_cast %add3A_367 : i32 to index
      %get3A_400 = arith.constant 32 : index
      %get3A_401 = tpu.vector_load %arg11[%get3A_399, %get3A_400] {strides = array<i32>} : memref<512x64xf32, #tpu.memory_space<vmem>>, vector<1x16xf32>,
      %get3A_402 = vector.shape_cast %get3A_401 : vector<1x16xf32> to vector<16xf32>
      %add3A_403 = vector.broadcast %squeeze3A_369 : f32 to vector<16xf32>
      %add3A_404 = arith.addf %get3A_402, %add3A_403 : vector<16xf32>
      %get3A_405 = arith.index_cast %add3A_367 : i32 to index
      %get3A_406 = arith.constant 32 : index
      %get3A_407 = tpu.vector_load %arg12[%get3A_405, %get3A_406] {strides = array<i32>} : memref<512x64xf32, #tpu.memory_space<vmem>>, vector<1x16xf32>,
      %get3A_408 = vector.shape_cast %get3A_407 : vector<1x16xf32> to vector<16xf32>
      %add3A_409 = vector.broadcast %squeeze3A_371 : f32 to vector<16xf32>
      %add3A_410 = arith.addf %get3A_408, %add3A_409 : vector<16xf32>
      %mul3A_411 = arith.mulf %add3A_404, %add3A_410 : vector<16xf32>
      %add3A_412 = arith.addf %add3A_398, %mul3A_411 : vector<16xf32>
      %get3A_413 = arith.index_cast %add3A_367 : i32 to index
      %get3A_414 = arith.constant 48 : index
      %get3A_415 = tpu.vector_load %arg11[%get3A_413, %get3A_414] {strides = array<i32>} : memref<512x64xf32, #tpu.memory_space<vmem>>, vector<1x16xf32>,
      %get3A_416 = vector.shape_cast %get3A_415 : vector<1x16xf32> to vector<16xf32>
      %add3A_417 = vector.broadcast %squeeze3A_369 : f32 to vector<16xf32>
      %add3A_418 = arith.addf %get3A_416, %add3A_417 : vector<16xf32>
      %get3A_419 = arith.index_cast %add3A_367 : i32 to index
      %get3A_420 = arith.constant 48 : index
      %get3A_421 = tpu.vector_load %arg12[%get3A_419, %get3A_420] {strides = array<i32>} : memref<512x64xf32, #tpu.memory_space<vmem>>, vector<1x16xf32>,
      %get3A_422 = vector.shape_cast %get3A_421 : vector<1x16xf32> to vector<16xf32>
      %add3A_423 = vector.broadcast %squeeze3A_371 : f32 to vector<16xf32>
      %add3A_424 = arith.addf %get3A_422, %add3A_423 : vector<16xf32>
      %mul3A_425 = arith.mulf %add3A_418, %add3A_424 : vector<16xf32>
      %add3A_426 = arith.addf %add3A_412, %mul3A_425 : vector<16xf32>
      %swap3A_427 = arith.index_cast %add3A_367 : i32 to index
      %swap3A_428 = arith.constant 0 : index
      %swap3A_429 = tpu.vector_load %arg15[%swap3A_427, %swap3A_428] {strides = array<i32>} : memref<512x16xf32, #tpu.memory_space<vmem>>, vector<1x16xf32>,
      %swap3A_430 = vector.shape_cast %swap3A_429 : vector<1x16xf32> to vector<16xf32>
      %swap3A_431 = vector.shape_cast %add3A_426 : vector<16xf32> to vector<1x16xf32>
      tpu.vector_store %arg15[%swap3A_427, %swap3A_428], %swap3A_431 {strides = array<i32>} : memref<512x16xf32, #tpu.memory_space<vmem>>, vector<1x16xf32>,
      %add3A_432 = arith.constant 3 : i32
      %add3A_433 = arith.addi %mul3A_231, %add3A_432 : i32
      %slice3A_434 = vector.extract_strided_slice %get3A_233 {offsets = [3], sizes = [1], strides = [1]} : vector<16xf32> to vector<1xf32>
      %squeeze3A_435 = vector.extract %slice3A_434[0] : f32 from vector<1xf32>
      %slice3A_436 = vector.extract_strided_slice %get3A_236 {offsets = [3], sizes = [1], strides = [1]} : vector<16xf32> to vector<1xf32>
      %squeeze3A_437 = vector.extract %slice3A_436[0] : f32 from vector<1xf32>
      %get3A_438 = arith.index_cast %add3A_433 : i32 to index
      %get3A_439 = arith.constant 0 : index
      %get3A_440 = tpu.vector_load %arg11[%get3A_438, %get3A_439] {strides = array<i32>} : memref<512x64xf32, #tpu.memory_space<vmem>>, vector<1x16xf32>,
      %get3A_441 = vector.shape_cast %get3A_440 : vector<1x16xf32> to vector<16xf32>
      %add3A_442 = vector.broadcast %squeeze3A_435 : f32 to vector<16xf32>
      %add3A_443 = arith.addf %get3A_441, %add3A_442 : vector<16xf32>
      %get3A_444 = arith.index_cast %add3A_433 : i32 to index
      %get3A_445 = arith.constant 0 : index
      %get3A_446 = tpu.vector_load %arg12[%get3A_444, %get3A_445] {strides = array<i32>} : memref<512x64xf32, #tpu.memory_space<vmem>>, vector<1x16xf32>,
      %get3A_447 = vector.shape_cast %get3A_446 : vector<1x16xf32> to vector<16xf32>
      %add3A_448 = vector.broadcast %squeeze3A_437 : f32 to vector<16xf32>
      %add3A_449 = arith.addf %get3A_447, %add3A_448 : vector<16xf32>
      %mul3A_450 = arith.mulf %add3A_443, %add3A_449 : vector<16xf32>
      %get3A_451 = arith.index_cast %add3A_433 : i32 to index
      %get3A_452 = arith.constant 16 : index
      %get3A_453 = tpu.vector_load %arg11[%get3A_451, %get3A_452] {strides = array<i32>} : memref<512x64xf32, #tpu.memory_space<vmem>>, vector<1x16xf32>,
      %get3A_454 = vector.shape_cast %get3A_453 : vector<1x16xf32> to vector<16xf32>
      %add3A_455 = vector.broadcast %squeeze3A_435 : f32 to vector<16xf32>
      %add3A_456 = arith.addf %get3A_454, %add3A_455 : vector<16xf32>
      %get3A_457 = arith.index_cast %add3A_433 : i32 to index
      %get3A_458 = arith.constant 16 : index
      %get3A_459 = tpu.vector_load %arg12[%get3A_457, %get3A_458] {strides = array<i32>} : memref<512x64xf32, #tpu.memory_space<vmem>>, vector<1x16xf32>,
      %get3A_460 = vector.shape_cast %get3A_459 : vector<1x16xf32> to vector<16xf32>
      %add3A_461 = vector.broadcast %squeeze3A_437 : f32 to vector<16xf32>
      %add3A_462 = arith.addf %get3A_460, %add3A_461 : vector<16xf32>
      %mul3A_463 = arith.mulf %add3A_456, %add3A_462 : vector<16xf32>
      %add3A_464 = arith.addf %mul3A_450, %mul3A_463 : vector<16xf32>
      %get3A_465 = arith.index_cast %add3A_433 : i32 to index
      %get3A_466 = arith.constant 32 : index
      %get3A_467 = tpu.vector_load %arg11[%get3A_465, %get3A_466] {strides = array<i32>} : memref<512x64xf32, #tpu.memory_space<vmem>>, vector<1x16xf32>,
      %get3A_468 = vector.shape_cast %get3A_467 : vector<1x16xf32> to vector<16xf32>
      %add3A_469 = vector.broadcast %squeeze3A_435 : f32 to vector<16xf32>
      %add3A_470 = arith.addf %get3A_468, %add3A_469 : vector<16xf32>
      %get3A_471 = arith.index_cast %add3A_433 : i32 to index
      %get3A_472 = arith.constant 32 : index
      %get3A_473 = tpu.vector_load %arg12[%get3A_471, %get3A_472] {strides = array<i32>} : memref<512x64xf32, #tpu.memory_space<vmem>>, vector<1x16xf32>,
      %get3A_474 = vector.shape_cast %get3A_473 : vector<1x16xf32> to vector<16xf32>
      %add3A_475 = vector.broadcast %squeeze3A_437 : f32 to vector<16xf32>
      %add3A_476 = arith.addf %get3A_474, %add3A_475 : vector<16xf32>
      %mul3A_477 = arith.mulf %add3A_470, %add3A_476 : vector<16xf32>
      %add3A_478 = arith.addf %add3A_464, %mul3A_477 : vector<16xf32>
      %get3A_479 = arith.index_cast %add3A_433 : i32 to index
      %get3A_480 = arith.constant 48 : index
      %get3A_481 = tpu.vector_load %arg11[%get3A_479, %get3A_480] {strides = array<i32>} : memref<512x64xf32, #tpu.memory_space<vmem>>, vector<1x16xf32>,
      %get3A_482 = vector.shape_cast %get3A_481 : vector<1x16xf32> to vector<16xf32>
      %add3A_483 = vector.broadcast %squeeze3A_435 : f32 to vector<16xf32>
      %add3A_484 = arith.addf %get3A_482, %add3A_483 : vector<16xf32>
      %get3A_485 = arith.index_cast %add3A_433 : i32 to index
      %get3A_486 = arith.constant 48 : index
      %get3A_487 = tpu.vector_load %arg12[%get3A_485, %get3A_486] {strides = array<i32>} : memref<512x64xf32, #tpu.memory_space<vmem>>, vector<1x16xf32>,
      %get3A_488 = vector.shape_cast %get3A_487 : vector<1x16xf32> to vector<16xf32>
      %add3A_489 = vector.broadcast %squeeze3A_437 : f32 to vector<16xf32>
      %add3A_490 = arith.addf %get3A_488, %add3A_489 : vector<16xf32>
      %mul3A_491 = arith.mulf %add3A_484, %add3A_490 : vector<16xf32>
      %add3A_492 = arith.addf %add3A_478, %mul3A_491 : vector<16xf32>
      %swap3A_493 = arith.index_cast %add3A_433 : i32 to index
      %swap3A_494 = arith.constant 0 : index
      %swap3A_495 = tpu.vector_load %arg15[%swap3A_493, %swap3A_494] {strides = array<i32>} : memref<512x16xf32, #tpu.memory_space<vmem>>, vector<1x16xf32>,
      %swap3A_496 = vector.shape_cast %swap3A_495 : vector<1x16xf32> to vector<16xf32>
      %swap3A_497 = vector.shape_cast %add3A_492 : vector<16xf32> to vector<1x16xf32>
      tpu.vector_store %arg15[%swap3A_493, %swap3A_494], %swap3A_497 {strides = array<i32>} : memref<512x16xf32, #tpu.memory_space<vmem>>, vector<1x16xf32>,
      %add3A_498 = arith.constant 4 : i32
      %add3A_499 = arith.addi %mul3A_231, %add3A_498 : i32
      %slice3A_500 = vector.extract_strided_slice %get3A_233 {offsets = [4], sizes = [1], strides = [1]} : vector<16xf32> to vector<1xf32>
      %squeeze3A_501 = vector.extract %slice3A_500[0] : f32 from vector<1xf32>
      %slice3A_502 = vector.extract_strided_slice %get3A_236 {offsets = [4], sizes = [1], strides = [1]} : vector<16xf32> to vector<1xf32>
      %squeeze3A_503 = vector.extract %slice3A_502[0] : f32 from vector<1xf32>
      %get3A_504 = arith.index_cast %add3A_499 : i32 to index
      %get3A_505 = arith.constant 0 : index
      %get3A_506 = tpu.vector_load %arg11[%get3A_504, %get3A_505] {strides = array<i32>} : memref<512x64xf32, #tpu.memory_space<vmem>>, vector<1x16xf32>,
      %get3A_507 = vector.shape_cast %get3A_506 : vector<1x16xf32> to vector<16xf32>
      %add3A_508 = vector.broadcast %squeeze3A_501 : f32 to vector<16xf32>
      %add3A_509 = arith.addf %get3A_507, %add3A_508 : vector<16xf32>
      %get3A_510 = arith.index_cast %add3A_499 : i32 to index
      %get3A_511 = arith.constant 0 : index
      %get3A_512 = tpu.vector_load %arg12[%get3A_510, %get3A_511] {strides = array<i32>} : memref<512x64xf32, #tpu.memory_space<vmem>>, vector<1x16xf32>,
      %get3A_513 = vector.shape_cast %get3A_512 : vector<1x16xf32> to vector<16xf32>
      %add3A_514 = vector.broadcast %squeeze3A_503 : f32 to vector<16xf32>
      %add3A_515 = arith.addf %get3A_513, %add3A_514 : vector<16xf32>
      %mul3A_516 = arith.mulf %add3A_509, %add3A_515 : vector<16xf32>
      %get3A_517 = arith.index_cast %add3A_499 : i32 to index
      %get3A_518 = arith.constant 16 : index
      %get3A_519 = tpu.vector_load %arg11[%get3A_517, %get3A_518] {strides = array<i32>} : memref<512x64xf32, #tpu.memory_space<vmem>>, vector<1x16xf32>,
      %get3A_520 = vector.shape_cast %get3A_519 : vector<1x16xf32> to vector<16xf32>
      %add3A_521 = vector.broadcast %squeeze3A_501 : f32 to vector<16xf32>
      %add3A_522 = arith.addf %get3A_520, %add3A_521 : vector<16xf32>
      %get3A_523 = arith.index_cast %add3A_499 : i32 to index
      %get3A_524 = arith.constant 16 : index
      %get3A_525 = tpu.vector_load %arg12[%get3A_523, %get3A_524] {strides = array<i32>} : memref<512x64xf32, #tpu.memory_space<vmem>>, vector<1x16xf32>,
      %get3A_526 = vector.shape_cast %get3A_525 : vector<1x16xf32> to vector<16xf32>
      %add3A_527 = vector.broadcast %squeeze3A_503 : f32 to vector<16xf32>
      %add3A_528 = arith.addf %get3A_526, %add3A_527 : vector<16xf32>
      %mul3A_529 = arith.mulf %add3A_522, %add3A_528 : vector<16xf32>
      %add3A_530 = arith.addf %mul3A_516, %mul3A_529 : vector<16xf32>
      %get3A_531 = arith.index_cast %add3A_499 : i32 to index
      %get3A_532 = arith.constant 32 : index
      %get3A_533 = tpu.vector_load %arg11[%get3A_531, %get3A_532] {strides = array<i32>} : memref<512x64xf32, #tpu.memory_space<vmem>>, vector<1x16xf32>,
      %get3A_534 = vector.shape_cast %get3A_533 : vector<1x16xf32> to vector<16xf32>
      %add3A_535 = vector.broadcast %squeeze3A_501 : f32 to vector<16xf32>
      %add3A_536 = arith.addf %get3A_534, %add3A_535 : vector<16xf32>
      %get3A_537 = arith.index_cast %add3A_499 : i32 to index
      %get3A_538 = arith.constant 32 : index
      %get3A_539 = tpu.vector_load %arg12[%get3A_537, %get3A_538] {strides = array<i32>} : memref<512x64xf32, #tpu.memory_space<vmem>>, vector<1x16xf32>,
      %get3A_540 = vector.shape_cast %get3A_539 : vector<1x16xf32> to vector<16xf32>
      %add3A_541 = vector.broadcast %squeeze3A_503 : f32 to vector<16xf32>
      %add3A_542 = arith.addf %get3A_540, %add3A_541 : vector<16xf32>
      %mul3A_543 = arith.mulf %add3A_536, %add3A_542 : vector<16xf32>
      %add3A_544 = arith.addf %add3A_530, %mul3A_543 : vector<16xf32>
      %get3A_545 = arith.index_cast %add3A_499 : i32 to index
      %get3A_546 = arith.constant 48 : index
      %get3A_547 = tpu.vector_load %arg11[%get3A_545, %get3A_546] {strides = array<i32>} : memref<512x64xf32, #tpu.memory_space<vmem>>, vector<1x16xf32>,
      %get3A_548 = vector.shape_cast %get3A_547 : vector<1x16xf32> to vector<16xf32>
      %add3A_549 = vector.broadcast %squeeze3A_501 : f32 to vector<16xf32>
      %add3A_550 = arith.addf %get3A_548, %add3A_549 : vector<16xf32>
      %get3A_551 = arith.index_cast %add3A_499 : i32 to index
      %get3A_552 = arith.constant 48 : index
      %get3A_553 = tpu.vector_load %arg12[%get3A_551, %get3A_552] {strides = array<i32>} : memref<512x64xf32, #tpu.memory_space<vmem>>, vector<1x16xf32>,
      %get3A_554 = vector.shape_cast %get3A_553 : vector<1x16xf32> to vector<16xf32>
      %add3A_555 = vector.broadcast %squeeze3A_503 : f32 to vector<16xf32>
      %add3A_556 = arith.addf %get3A_554, %add3A_555 : vector<16xf32>
      %mul3A_557 = arith.mulf %add3A_550, %add3A_556 : vector<16xf32>
      %add3A_558 = arith.addf %add3A_544, %mul3A_557 : vector<16xf32>
      %swap3A_559 = arith.index_cast %add3A_499 : i32 to index
      %swap3A_560 = arith.constant 0 : index
      %swap3A_561 = tpu.vector_load %arg15[%swap3A_559, %swap3A_560] {strides = array<i32>} : memref<512x16xf32, #tpu.memory_space<vmem>>, vector<1x16xf32>,
      %swap3A_562 = vector.shape_cast %swap3A_561 : vector<1x16xf32> to vector<16xf32>
      %swap3A_563 = vector.shape_cast %add3A_558 : vector<16xf32> to vector<1x16xf32>
      tpu.vector_store %arg15[%swap3A_559, %swap3A_560], %swap3A_563 {strides = array<i32>} : memref<512x16xf32, #tpu.memory_space<vmem>>, vector<1x16xf32>,
      %add3A_564 = arith.constant 5 : i32
      %add3A_565 = arith.addi %mul3A_231, %add3A_564 : i32
      %slice3A_566 = vector.extract_strided_slice %get3A_233 {offsets = [5], sizes = [1], strides = [1]} : vector<16xf32> to vector<1xf32>
      %squeeze3A_567 = vector.extract %slice3A_566[0] : f32 from vector<1xf32>
      %slice3A_568 = vector.extract_strided_slice %get3A_236 {offsets = [5], sizes = [1], strides = [1]} : vector<16xf32> to vector<1xf32>
      %squeeze3A_569 = vector.extract %slice3A_568[0] : f32 from vector<1xf32>
      %get3A_570 = arith.index_cast %add3A_565 : i32 to index
      %get3A_571 = arith.constant 0 : index
      %get3A_572 = tpu.vector_load %arg11[%get3A_570, %get3A_571] {strides = array<i32>} : memref<512x64xf32, #tpu.memory_space<vmem>>, vector<1x16xf32>,
      %get3A_573 = vector.shape_cast %get3A_572 : vector<1x16xf32> to vector<16xf32>
      %add3A_574 = vector.broadcast %squeeze3A_567 : f32 to vector<16xf32>
      %add3A_575 = arith.addf %get3A_573, %add3A_574 : vector<16xf32>
      %get3A_576 = arith.index_cast %add3A_565 : i32 to index
      %get3A_577 = arith.constant 0 : index
      %get3A_578 = tpu.vector_load %arg12[%get3A_576, %get3A_577] {strides = array<i32>} : memref<512x64xf32, #tpu.memory_space<vmem>>, vector<1x16xf32>,
      %get3A_579 = vector.shape_cast %get3A_578 : vector<1x16xf32> to vector<16xf32>
      %add3A_580 = vector.broadcast %squeeze3A_569 : f32 to vector<16xf32>
      %add3A_581 = arith.addf %get3A_579, %add3A_580 : vector<16xf32>
      %mul3A_582 = arith.mulf %add3A_575, %add3A_581 : vector<16xf32>
      %get3A_583 = arith.index_cast %add3A_565 : i32 to index
      %get3A_584 = arith.constant 16 : index
      %get3A_585 = tpu.vector_load %arg11[%get3A_583, %get3A_584] {strides = array<i32>} : memref<512x64xf32, #tpu.memory_space<vmem>>, vector<1x16xf32>,
      %get3A_586 = vector.shape_cast %get3A_585 : vector<1x16xf32> to vector<16xf32>
      %add3A_587 = vector.broadcast %squeeze3A_567 : f32 to vector<16xf32>
      %add3A_588 = arith.addf %get3A_586, %add3A_587 : vector<16xf32>
      %get3A_589 = arith.index_cast %add3A_565 : i32 to index
      %get3A_590 = arith.constant 16 : index
      %get3A_591 = tpu.vector_load %arg12[%get3A_589, %get3A_590] {strides = array<i32>} : memref<512x64xf32, #tpu.memory_space<vmem>>, vector<1x16xf32>,
      %get3A_592 = vector.shape_cast %get3A_591 : vector<1x16xf32> to vector<16xf32>
      %add3A_593 = vector.broadcast %squeeze3A_569 : f32 to vector<16xf32>
      %add3A_594 = arith.addf %get3A_592, %add3A_593 : vector<16xf32>
      %mul3A_595 = arith.mulf %add3A_588, %add3A_594 : vector<16xf32>
      %add3A_596 = arith.addf %mul3A_582, %mul3A_595 : vector<16xf32>
      %get3A_597 = arith.index_cast %add3A_565 : i32 to index
      %get3A_598 = arith.constant 32 : index
      %get3A_599 = tpu.vector_load %arg11[%get3A_597, %get3A_598] {strides = array<i32>} : memref<512x64xf32, #tpu.memory_space<vmem>>, vector<1x16xf32>,
      %get3A_600 = vector.shape_cast %get3A_599 : vector<1x16xf32> to vector<16xf32>
      %add3A_601 = vector.broadcast %squeeze3A_567 : f32 to vector<16xf32>
      %add3A_602 = arith.addf %get3A_600, %add3A_601 : vector<16xf32>
      %get3A_603 = arith.index_cast %add3A_565 : i32 to index
      %get3A_604 = arith.constant 32 : index
      %get3A_605 = tpu.vector_load %arg12[%get3A_603, %get3A_604] {strides = array<i32>} : memref<512x64xf32, #tpu.memory_space<vmem>>, vector<1x16xf32>,
      %get3A_606 = vector.shape_cast %get3A_605 : vector<1x16xf32> to vector<16xf32>
      %add3A_607 = vector.broadcast %squeeze3A_569 : f32 to vector<16xf32>
      %add3A_608 = arith.addf %get3A_606, %add3A_607 : vector<16xf32>
      %mul3A_609 = arith.mulf %add3A_602, %add3A_608 : vector<16xf32>
      %add3A_610 = arith.addf %add3A_596, %mul3A_609 : vector<16xf32>
      %get3A_611 = arith.index_cast %add3A_565 : i32 to index
      %get3A_612 = arith.constant 48 : index
      %get3A_613 = tpu.vector_load %arg11[%get3A_611, %get3A_612] {strides = array<i32>} : memref<512x64xf32, #tpu.memory_space<vmem>>, vector<1x16xf32>,
      %get3A_614 = vector.shape_cast %get3A_613 : vector<1x16xf32> to vector<16xf32>
      %add3A_615 = vector.broadcast %squeeze3A_567 : f32 to vector<16xf32>
      %add3A_616 = arith.addf %get3A_614, %add3A_615 : vector<16xf32>
      %get3A_617 = arith.index_cast %add3A_565 : i32 to index
      %get3A_618 = arith.constant 48 : index
      %get3A_619 = tpu.vector_load %arg12[%get3A_617, %get3A_618] {strides = array<i32>} : memref<512x64xf32, #tpu.memory_space<vmem>>, vector<1x16xf32>,
      %get3A_620 = vector.shape_cast %get3A_619 : vector<1x16xf32> to vector<16xf32>
      %add3A_621 = vector.broadcast %squeeze3A_569 : f32 to vector<16xf32>
      %add3A_622 = arith.addf %get3A_620, %add3A_621 : vector<16xf32>
      %mul3A_623 = arith.mulf %add3A_616, %add3A_622 : vector<16xf32>
      %add3A_624 = arith.addf %add3A_610, %mul3A_623 : vector<16xf32>
      %swap3A_625 = arith.index_cast %add3A_565 : i32 to index
      %swap3A_626 = arith.constant 0 : index
      %swap3A_627 = tpu.vector_load %arg15[%swap3A_625, %swap3A_626] {strides = array<i32>} : memref<512x16xf32, #tpu.memory_space<vmem>>, vector<1x16xf32>,
      %swap3A_628 = vector.shape_cast %swap3A_627 : vector<1x16xf32> to vector<16xf32>
      %swap3A_629 = vector.shape_cast %add3A_624 : vector<16xf32> to vector<1x16xf32>
      tpu.vector_store %arg15[%swap3A_625, %swap3A_626], %swap3A_629 {strides = array<i32>} : memref<512x16xf32, #tpu.memory_space<vmem>>, vector<1x16xf32>,
      %add3A_630 = arith.constant 6 : i32
      %add3A_631 = arith.addi %mul3A_231, %add3A_630 : i32
      %slice3A_632 = vector.extract_strided_slice %get3A_233 {offsets = [6], sizes = [1], strides = [1]} : vector<16xf32> to vector<1xf32>
      %squeeze3A_633 = vector.extract %slice3A_632[0] : f32 from vector<1xf32>
      %slice3A_634 = vector.extract_strided_slice %get3A_236 {offsets = [6], sizes = [1], strides = [1]} : vector<16xf32> to vector<1xf32>
      %squeeze3A_635 = vector.extract %slice3A_634[0] : f32 from vector<1xf32>
      %get3A_636 = arith.index_cast %add3A_631 : i32 to index
      %get3A_637 = arith.constant 0 : index
      %get3A_638 = tpu.vector_load %arg11[%get3A_636, %get3A_637] {strides = array<i32>} : memref<512x64xf32, #tpu.memory_space<vmem>>, vector<1x16xf32>,
      %get3A_639 = vector.shape_cast %get3A_638 : vector<1x16xf32> to vector<16xf32>
      %add3A_640 = vector.broadcast %squeeze3A_633 : f32 to vector<16xf32>
      %add3A_641 = arith.addf %get3A_639, %add3A_640 : vector<16xf32>
      %get3A_642 = arith.index_cast %add3A_631 : i32 to index
      %get3A_643 = arith.constant 0 : index
      %get3A_644 = tpu.vector_load %arg12[%get3A_642, %get3A_643] {strides = array<i32>} : memref<512x64xf32, #tpu.memory_space<vmem>>, vector<1x16xf32>,
      %get3A_645 = vector.shape_cast %get3A_644 : vector<1x16xf32> to vector<16xf32>
      %add3A_646 = vector.broadcast %squeeze3A_635 : f32 to vector<16xf32>
      %add3A_647 = arith.addf %get3A_645, %add3A_646 : vector<16xf32>
      %mul3A_648 = arith.mulf %add3A_641, %add3A_647 : vector<16xf32>
      %get3A_649 = arith.index_cast %add3A_631 : i32 to index
      %get3A_650 = arith.constant 16 : index
      %get3A_651 = tpu.vector_load %arg11[%get3A_649, %get3A_650] {strides = array<i32>} : memref<512x64xf32, #tpu.memory_space<vmem>>, vector<1x16xf32>,
      %get3A_652 = vector.shape_cast %get3A_651 : vector<1x16xf32> to vector<16xf32>
      %add3A_653 = vector.broadcast %squeeze3A_633 : f32 to vector<16xf32>
      %add3A_654 = arith.addf %get3A_652, %add3A_653 : vector<16xf32>
      %get3A_655 = arith.index_cast %add3A_631 : i32 to index
      %get3A_656 = arith.constant 16 : index
      %get3A_657 = tpu.vector_load %arg12[%get3A_655, %get3A_656] {strides = array<i32>} : memref<512x64xf32, #tpu.memory_space<vmem>>, vector<1x16xf32>,
      %get3A_658 = vector.shape_cast %get3A_657 : vector<1x16xf32> to vector<16xf32>
      %add3A_659 = vector.broadcast %squeeze3A_635 : f32 to vector<16xf32>
      %add3A_660 = arith.addf %get3A_658, %add3A_659 : vector<16xf32>
      %mul3A_661 = arith.mulf %add3A_654, %add3A_660 : vector<16xf32>
      %add3A_662 = arith.addf %mul3A_648, %mul3A_661 : vector<16xf32>
      %get3A_663 = arith.index_cast %add3A_631 : i32 to index
      %get3A_664 = arith.constant 32 : index
      %get3A_665 = tpu.vector_load %arg11[%get3A_663, %get3A_664] {strides = array<i32>} : memref<512x64xf32, #tpu.memory_space<vmem>>, vector<1x16xf32>,
      %get3A_666 = vector.shape_cast %get3A_665 : vector<1x16xf32> to vector<16xf32>
      %add3A_667 = vector.broadcast %squeeze3A_633 : f32 to vector<16xf32>
      %add3A_668 = arith.addf %get3A_666, %add3A_667 : vector<16xf32>
      %get3A_669 = arith.index_cast %add3A_631 : i32 to index
      %get3A_670 = arith.constant 32 : index
      %get3A_671 = tpu.vector_load %arg12[%get3A_669, %get3A_670] {strides = array<i32>} : memref<512x64xf32, #tpu.memory_space<vmem>>, vector<1x16xf32>,
      %get3A_672 = vector.shape_cast %get3A_671 : vector<1x16xf32> to vector<16xf32>
      %add3A_673 = vector.broadcast %squeeze3A_635 : f32 to vector<16xf32>
      %add3A_674 = arith.addf %get3A_672, %add3A_673 : vector<16xf32>
      %mul3A_675 = arith.mulf %add3A_668, %add3A_674 : vector<16xf32>
      %add3A_676 = arith.addf %add3A_662, %mul3A_675 : vector<16xf32>
      %get3A_677 = arith.index_cast %add3A_631 : i32 to index
      %get3A_678 = arith.constant 48 : index
      %get3A_679 = tpu.vector_load %arg11[%get3A_677, %get3A_678] {strides = array<i32>} : memref<512x64xf32, #tpu.memory_space<vmem>>, vector<1x16xf32>,
      %get3A_680 = vector.shape_cast %get3A_679 : vector<1x16xf32> to vector<16xf32>
      %add3A_681 = vector.broadcast %squeeze3A_633 : f32 to vector<16xf32>
      %add3A_682 = arith.addf %get3A_680, %add3A_681 : vector<16xf32>
      %get3A_683 = arith.index_cast %add3A_631 : i32 to index
      %get3A_684 = arith.constant 48 : index
      %get3A_685 = tpu.vector_load %arg12[%get3A_683, %get3A_684] {strides = array<i32>} : memref<512x64xf32, #tpu.memory_space<vmem>>, vector<1x16xf32>,
      %get3A_686 = vector.shape_cast %get3A_685 : vector<1x16xf32> to vector<16xf32>
      %add3A_687 = vector.broadcast %squeeze3A_635 : f32 to vector<16xf32>
      %add3A_688 = arith.addf %get3A_686, %add3A_687 : vector<16xf32>
      %mul3A_689 = arith.mulf %add3A_682, %add3A_688 : vector<16xf32>
      %add3A_690 = arith.addf %add3A_676, %mul3A_689 : vector<16xf32>
      %swap3A_691 = arith.index_cast %add3A_631 : i32 to index
      %swap3A_692 = arith.constant 0 : index
      %swap3A_693 = tpu.vector_load %arg15[%swap3A_691, %swap3A_692] {strides = array<i32>} : memref<512x16xf32, #tpu.memory_space<vmem>>, vector<1x16xf32>,
      %swap3A_694 = vector.shape_cast %swap3A_693 : vector<1x16xf32> to vector<16xf32>
      %swap3A_695 = vector.shape_cast %add3A_690 : vector<16xf32> to vector<1x16xf32>
      tpu.vector_store %arg15[%swap3A_691, %swap3A_692], %swap3A_695 {strides = array<i32>} : memref<512x16xf32, #tpu.memory_space<vmem>>, vector<1x16xf32>,
      %add3A_696 = arith.constant 7 : i32
      %add3A_697 = arith.addi %mul3A_231, %add3A_696 : i32
      %slice3A_698 = vector.extract_strided_slice %get3A_233 {offsets = [7], sizes = [1], strides = [1]} : vector<16xf32> to vector<1xf32>
      %squeeze3A_699 = vector.extract %slice3A_698[0] : f32 from vector<1xf32>
      %slice3A_700 = vector.extract_strided_slice %get3A_236 {offsets = [7], sizes = [1], strides = [1]} : vector<16xf32> to vector<1xf32>
      %squeeze3A_701 = vector.extract %slice3A_700[0] : f32 from vector<1xf32>
      %get3A_702 = arith.index_cast %add3A_697 : i32 to index
      %get3A_703 = arith.constant 0 : index
      %get3A_704 = tpu.vector_load %arg11[%get3A_702, %get3A_703] {strides = array<i32>} : memref<512x64xf32, #tpu.memory_space<vmem>>, vector<1x16xf32>,
      %get3A_705 = vector.shape_cast %get3A_704 : vector<1x16xf32> to vector<16xf32>
      %add3A_706 = vector.broadcast %squeeze3A_699 : f32 to vector<16xf32>
      %add3A_707 = arith.addf %get3A_705, %add3A_706 : vector<16xf32>
      %get3A_708 = arith.index_cast %add3A_697 : i32 to index
      %get3A_709 = arith.constant 0 : index
      %get3A_710 = tpu.vector_load %arg12[%get3A_708, %get3A_709] {strides = array<i32>} : memref<512x64xf32, #tpu.memory_space<vmem>>, vector<1x16xf32>,
      %get3A_711 = vector.shape_cast %get3A_710 : vector<1x16xf32> to vector<16xf32>
      %add3A_712 = vector.broadcast %squeeze3A_701 : f32 to vector<16xf32>
      %add3A_713 = arith.addf %get3A_711, %add3A_712 : vector<16xf32>
      %mul3A_714 = arith.mulf %add3A_707, %add3A_713 : vector<16xf32>
      %get3A_715 = arith.index_cast %add3A_697 : i32 to index
      %get3A_716 = arith.constant 16 : index
      %get3A_717 = tpu.vector_load %arg11[%get3A_715, %get3A_716] {strides = array<i32>} : memref<512x64xf32, #tpu.memory_space<vmem>>, vector<1x16xf32>,
      %get3A_718 = vector.shape_cast %get3A_717 : vector<1x16xf32> to vector<16xf32>
      %add3A_719 = vector.broadcast %squeeze3A_699 : f32 to vector<16xf32>
      %add3A_720 = arith.addf %get3A_718, %add3A_719 : vector<16xf32>
      %get3A_721 = arith.index_cast %add3A_697 : i32 to index
      %get3A_722 = arith.constant 16 : index
      %get3A_723 = tpu.vector_load %arg12[%get3A_721, %get3A_722] {strides = array<i32>} : memref<512x64xf32, #tpu.memory_space<vmem>>, vector<1x16xf32>,
      %get3A_724 = vector.shape_cast %get3A_723 : vector<1x16xf32> to vector<16xf32>
      %add3A_725 = vector.broadcast %squeeze3A_701 : f32 to vector<16xf32>
      %add3A_726 = arith.addf %get3A_724, %add3A_725 : vector<16xf32>
      %mul3A_727 = arith.mulf %add3A_720, %add3A_726 : vector<16xf32>
      %add3A_728 = arith.addf %mul3A_714, %mul3A_727 : vector<16xf32>
      %get3A_729 = arith.index_cast %add3A_697 : i32 to index
      %get3A_730 = arith.constant 32 : index
      %get3A_731 = tpu.vector_load %arg11[%get3A_729, %get3A_730] {strides = array<i32>} : memref<512x64xf32, #tpu.memory_space<vmem>>, vector<1x16xf32>,
      %get3A_732 = vector.shape_cast %get3A_731 : vector<1x16xf32> to vector<16xf32>
      %add3A_733 = vector.broadcast %squeeze3A_699 : f32 to vector<16xf32>
      %add3A_734 = arith.addf %get3A_732, %add3A_733 : vector<16xf32>
      %get3A_735 = arith.index_cast %add3A_697 : i32 to index
      %get3A_736 = arith.constant 32 : index
      %get3A_737 = tpu.vector_load %arg12[%get3A_735, %get3A_736] {strides = array<i32>} : memref<512x64xf32, #tpu.memory_space<vmem>>, vector<1x16xf32>,
      %get3A_738 = vector.shape_cast %get3A_737 : vector<1x16xf32> to vector<16xf32>
      %add3A_739 = vector.broadcast %squeeze3A_701 : f32 to vector<16xf32>
      %add3A_740 = arith.addf %get3A_738, %add3A_739 : vector<16xf32>
      %mul3A_741 = arith.mulf %add3A_734, %add3A_740 : vector<16xf32>
      %add3A_742 = arith.addf %add3A_728, %mul3A_741 : vector<16xf32>
      %get3A_743 = arith.index_cast %add3A_697 : i32 to index
      %get3A_744 = arith.constant 48 : index
      %get3A_745 = tpu.vector_load %arg11[%get3A_743, %get3A_744] {strides = array<i32>} : memref<512x64xf32, #tpu.memory_space<vmem>>, vector<1x16xf32>,
      %get3A_746 = vector.shape_cast %get3A_745 : vector<1x16xf32> to vector<16xf32>
      %add3A_747 = vector.broadcast %squeeze3A_699 : f32 to vector<16xf32>
      %add3A_748 = arith.addf %get3A_746, %add3A_747 : vector<16xf32>
      %get3A_749 = arith.index_cast %add3A_697 : i32 to index
      %get3A_750 = arith.constant 48 : index
      %get3A_751 = tpu.vector_load %arg12[%get3A_749, %get3A_750] {strides = array<i32>} : memref<512x64xf32, #tpu.memory_space<vmem>>, vector<1x16xf32>,
      %get3A_752 = vector.shape_cast %get3A_751 : vector<1x16xf32> to vector<16xf32>
      %add3A_753 = vector.broadcast %squeeze3A_701 : f32 to vector<16xf32>
      %add3A_754 = arith.addf %get3A_752, %add3A_753 : vector<16xf32>
      %mul3A_755 = arith.mulf %add3A_748, %add3A_754 : vector<16xf32>
      %add3A_756 = arith.addf %add3A_742, %mul3A_755 : vector<16xf32>
      %swap3A_757 = arith.index_cast %add3A_697 : i32 to index
      %swap3A_758 = arith.constant 0 : index
      %swap3A_759 = tpu.vector_load %arg15[%swap3A_757, %swap3A_758] {strides = array<i32>} : memref<512x16xf32, #tpu.memory_space<vmem>>, vector<1x16xf32>,
      %swap3A_760 = vector.shape_cast %swap3A_759 : vector<1x16xf32> to vector<16xf32>
      %swap3A_761 = vector.shape_cast %add3A_756 : vector<16xf32> to vector<1x16xf32>
      tpu.vector_store %arg15[%swap3A_757, %swap3A_758], %swap3A_761 {strides = array<i32>} : memref<512x16xf32, #tpu.memory_space<vmem>>, vector<1x16xf32>,
      %add3A_762 = arith.constant 8 : i32
      %add3A_763 = arith.addi %mul3A_231, %add3A_762 : i32
      %slice3A_764 = vector.extract_strided_slice %get3A_233 {offsets = [8], sizes = [1], strides = [1]} : vector<16xf32> to vector<1xf32>
      %squeeze3A_765 = vector.extract %slice3A_764[0] : f32 from vector<1xf32>
      %slice3A_766 = vector.extract_strided_slice %get3A_236 {offsets = [8], sizes = [1], strides = [1]} : vector<16xf32> to vector<1xf32>
      %squeeze3A_767 = vector.extract %slice3A_766[0] : f32 from vector<1xf32>
      %get3A_768 = arith.index_cast %add3A_763 : i32 to index
      %get3A_769 = arith.constant 0 : index
      %get3A_770 = tpu.vector_load %arg11[%get3A_768, %get3A_769] {strides = array<i32>} : memref<512x64xf32, #tpu.memory_space<vmem>>, vector<1x16xf32>,
      %get3A_771 = vector.shape_cast %get3A_770 : vector<1x16xf32> to vector<16xf32>
      %add3A_772 = vector.broadcast %squeeze3A_765 : f32 to vector<16xf32>
      %add3A_773 = arith.addf %get3A_771, %add3A_772 : vector<16xf32>
      %get3A_774 = arith.index_cast %add3A_763 : i32 to index
      %get3A_775 = arith.constant 0 : index
      %get3A_776 = tpu.vector_load %arg12[%get3A_774, %get3A_775] {strides = array<i32>} : memref<512x64xf32, #tpu.memory_space<vmem>>, vector<1x16xf32>,
      %get3A_777 = vector.shape_cast %get3A_776 : vector<1x16xf32> to vector<16xf32>
      %add3A_778 = vector.broadcast %squeeze3A_767 : f32 to vector<16xf32>
      %add3A_779 = arith.addf %get3A_777, %add3A_778 : vector<16xf32>
      %mul3A_780 = arith.mulf %add3A_773, %add3A_779 : vector<16xf32>
      %get3A_781 = arith.index_cast %add3A_763 : i32 to index
      %get3A_782 = arith.constant 16 : index
      %get3A_783 = tpu.vector_load %arg11[%get3A_781, %get3A_782] {strides = array<i32>} : memref<512x64xf32, #tpu.memory_space<vmem>>, vector<1x16xf32>,
      %get3A_784 = vector.shape_cast %get3A_783 : vector<1x16xf32> to vector<16xf32>
      %add3A_785 = vector.broadcast %squeeze3A_765 : f32 to vector<16xf32>
      %add3A_786 = arith.addf %get3A_784, %add3A_785 : vector<16xf32>
      %get3A_787 = arith.index_cast %add3A_763 : i32 to index
      %get3A_788 = arith.constant 16 : index
      %get3A_789 = tpu.vector_load %arg12[%get3A_787, %get3A_788] {strides = array<i32>} : memref<512x64xf32, #tpu.memory_space<vmem>>, vector<1x16xf32>,
      %get3A_790 = vector.shape_cast %get3A_789 : vector<1x16xf32> to vector<16xf32>
      %add3A_791 = vector.broadcast %squeeze3A_767 : f32 to vector<16xf32>
      %add3A_792 = arith.addf %get3A_790, %add3A_791 : vector<16xf32>
      %mul3A_793 = arith.mulf %add3A_786, %add3A_792 : vector<16xf32>
      %add3A_794 = arith.addf %mul3A_780, %mul3A_793 : vector<16xf32>
      %get3A_795 = arith.index_cast %add3A_763 : i32 to index
      %get3A_796 = arith.constant 32 : index
      %get3A_797 = tpu.vector_load %arg11[%get3A_795, %get3A_796] {strides = array<i32>} : memref<512x64xf32, #tpu.memory_space<vmem>>, vector<1x16xf32>,
      %get3A_798 = vector.shape_cast %get3A_797 : vector<1x16xf32> to vector<16xf32>
      %add3A_799 = vector.broadcast %squeeze3A_765 : f32 to vector<16xf32>
      %add3A_800 = arith.addf %get3A_798, %add3A_799 : vector<16xf32>
      %get3A_801 = arith.index_cast %add3A_763 : i32 to index
      %get3A_802 = arith.constant 32 : index
      %get3A_803 = tpu.vector_load %arg12[%get3A_801, %get3A_802] {strides = array<i32>} : memref<512x64xf32, #tpu.memory_space<vmem>>, vector<1x16xf32>,
      %get3A_804 = vector.shape_cast %get3A_803 : vector<1x16xf32> to vector<16xf32>
      %add3A_805 = vector.broadcast %squeeze3A_767 : f32 to vector<16xf32>
      %add3A_806 = arith.addf %get3A_804, %add3A_805 : vector<16xf32>
      %mul3A_807 = arith.mulf %add3A_800, %add3A_806 : vector<16xf32>
      %add3A_808 = arith.addf %add3A_794, %mul3A_807 : vector<16xf32>
      %get3A_809 = arith.index_cast %add3A_763 : i32 to index
      %get3A_810 = arith.constant 48 : index
      %get3A_811 = tpu.vector_load %arg11[%get3A_809, %get3A_810] {strides = array<i32>} : memref<512x64xf32, #tpu.memory_space<vmem>>, vector<1x16xf32>,
      %get3A_812 = vector.shape_cast %get3A_811 : vector<1x16xf32> to vector<16xf32>
      %add3A_813 = vector.broadcast %squeeze3A_765 : f32 to vector<16xf32>
      %add3A_814 = arith.addf %get3A_812, %add3A_813 : vector<16xf32>
      %get3A_815 = arith.index_cast %add3A_763 : i32 to index
      %get3A_816 = arith.constant 48 : index
      %get3A_817 = tpu.vector_load %arg12[%get3A_815, %get3A_816] {strides = array<i32>} : memref<512x64xf32, #tpu.memory_space<vmem>>, vector<1x16xf32>,
      %get3A_818 = vector.shape_cast %get3A_817 : vector<1x16xf32> to vector<16xf32>
      %add3A_819 = vector.broadcast %squeeze3A_767 : f32 to vector<16xf32>
      %add3A_820 = arith.addf %get3A_818, %add3A_819 : vector<16xf32>
      %mul3A_821 = arith.mulf %add3A_814, %add3A_820 : vector<16xf32>
      %add3A_822 = arith.addf %add3A_808, %mul3A_821 : vector<16xf32>
      %swap3A_823 = arith.index_cast %add3A_763 : i32 to index
      %swap3A_824 = arith.constant 0 : index
      %swap3A_825 = tpu.vector_load %arg15[%swap3A_823, %swap3A_824] {strides = array<i32>} : memref<512x16xf32, #tpu.memory_space<vmem>>, vector<1x16xf32>,
      %swap3A_826 = vector.shape_cast %swap3A_825 : vector<1x16xf32> to vector<16xf32>
      %swap3A_827 = vector.shape_cast %add3A_822 : vector<16xf32> to vector<1x16xf32>
      tpu.vector_store %arg15[%swap3A_823, %swap3A_824], %swap3A_827 {strides = array<i32>} : memref<512x16xf32, #tpu.memory_space<vmem>>, vector<1x16xf32>,
      %add3A_828 = arith.constant 9 : i32
      %add3A_829 = arith.addi %mul3A_231, %add3A_828 : i32
      %slice3A_830 = vector.extract_strided_slice %get3A_233 {offsets = [9], sizes = [1], strides = [1]} : vector<16xf32> to vector<1xf32>
      %squeeze3A_831 = vector.extract %slice3A_830[0] : f32 from vector<1xf32>
      %slice3A_832 = vector.extract_strided_slice %get3A_236 {offsets = [9], sizes = [1], strides = [1]} : vector<16xf32> to vector<1xf32>
      %squeeze3A_833 = vector.extract %slice3A_832[0] : f32 from vector<1xf32>
      %get3A_834 = arith.index_cast %add3A_829 : i32 to index
      %get3A_835 = arith.constant 0 : index
      %get3A_836 = tpu.vector_load %arg11[%get3A_834, %get3A_835] {strides = array<i32>} : memref<512x64xf32, #tpu.memory_space<vmem>>, vector<1x16xf32>,
      %get3A_837 = vector.shape_cast %get3A_836 : vector<1x16xf32> to vector<16xf32>
      %add3A_838 = vector.broadcast %squeeze3A_831 : f32 to vector<16xf32>
      %add3A_839 = arith.addf %get3A_837, %add3A_838 : vector<16xf32>
      %get3A_840 = arith.index_cast %add3A_829 : i32 to index
      %get3A_841 = arith.constant 0 : index
      %get3A_842 = tpu.vector_load %arg12[%get3A_840, %get3A_841] {strides = array<i32>} : memref<512x64xf32, #tpu.memory_space<vmem>>, vector<1x16xf32>,
      %get3A_843 = vector.shape_cast %get3A_842 : vector<1x16xf32> to vector<16xf32>
      %add3A_844 = vector.broadcast %squeeze3A_833 : f32 to vector<16xf32>
      %add3A_845 = arith.addf %get3A_843, %add3A_844 : vector<16xf32>
      %mul3A_846 = arith.mulf %add3A_839, %add3A_845 : vector<16xf32>
      %get3A_847 = arith.index_cast %add3A_829 : i32 to index
      %get3A_848 = arith.constant 16 : index
      %get3A_849 = tpu.vector_load %arg11[%get3A_847, %get3A_848] {strides = array<i32>} : memref<512x64xf32, #tpu.memory_space<vmem>>, vector<1x16xf32>,
      %get3A_850 = vector.shape_cast %get3A_849 : vector<1x16xf32> to vector<16xf32>
      %add3A_851 = vector.broadcast %squeeze3A_831 : f32 to vector<16xf32>
      %add3A_852 = arith.addf %get3A_850, %add3A_851 : vector<16xf32>
      %get3A_853 = arith.index_cast %add3A_829 : i32 to index
      %get3A_854 = arith.constant 16 : index
      %get3A_855 = tpu.vector_load %arg12[%get3A_853, %get3A_854] {strides = array<i32>} : memref<512x64xf32, #tpu.memory_space<vmem>>, vector<1x16xf32>,
      %get3A_856 = vector.shape_cast %get3A_855 : vector<1x16xf32> to vector<16xf32>
      %add3A_857 = vector.broadcast %squeeze3A_833 : f32 to vector<16xf32>
      %add3A_858 = arith.addf %get3A_856, %add3A_857 : vector<16xf32>
      %mul3A_859 = arith.mulf %add3A_852, %add3A_858 : vector<16xf32>
      %add3A_860 = arith.addf %mul3A_846, %mul3A_859 : vector<16xf32>
      %get3A_861 = arith.index_cast %add3A_829 : i32 to index
      %get3A_862 = arith.constant 32 : index
      %get3A_863 = tpu.vector_load %arg11[%get3A_861, %get3A_862] {strides = array<i32>} : memref<512x64xf32, #tpu.memory_space<vmem>>, vector<1x16xf32>,
      %get3A_864 = vector.shape_cast %get3A_863 : vector<1x16xf32> to vector<16xf32>
      %add3A_865 = vector.broadcast %squeeze3A_831 : f32 to vector<16xf32>
      %add3A_866 = arith.addf %get3A_864, %add3A_865 : vector<16xf32>
      %get3A_867 = arith.index_cast %add3A_829 : i32 to index
      %get3A_868 = arith.constant 32 : index
      %get3A_869 = tpu.vector_load %arg12[%get3A_867, %get3A_868] {strides = array<i32>} : memref<512x64xf32, #tpu.memory_space<vmem>>, vector<1x16xf32>,
      %get3A_870 = vector.shape_cast %get3A_869 : vector<1x16xf32> to vector<16xf32>
      %add3A_871 = vector.broadcast %squeeze3A_833 : f32 to vector<16xf32>
      %add3A_872 = arith.addf %get3A_870, %add3A_871 : vector<16xf32>
      %mul3A_873 = arith.mulf %add3A_866, %add3A_872 : vector<16xf32>
      %add3A_874 = arith.addf %add3A_860, %mul3A_873 : vector<16xf32>
      %get3A_875 = arith.index_cast %add3A_829 : i32 to index
      %get3A_876 = arith.constant 48 : index
      %get3A_877 = tpu.vector_load %arg11[%get3A_875, %get3A_876] {strides = array<i32>} : memref<512x64xf32, #tpu.memory_space<vmem>>, vector<1x16xf32>,
      %get3A_878 = vector.shape_cast %get3A_877 : vector<1x16xf32> to vector<16xf32>
      %add3A_879 = vector.broadcast %squeeze3A_831 : f32 to vector<16xf32>
      %add3A_880 = arith.addf %get3A_878, %add3A_879 : vector<16xf32>
      %get3A_881 = arith.index_cast %add3A_829 : i32 to index
      %get3A_882 = arith.constant 48 : index
      %get3A_883 = tpu.vector_load %arg12[%get3A_881, %get3A_882] {strides = array<i32>} : memref<512x64xf32, #tpu.memory_space<vmem>>, vector<1x16xf32>,
      %get3A_884 = vector.shape_cast %get3A_883 : vector<1x16xf32> to vector<16xf32>
      %add3A_885 = vector.broadcast %squeeze3A_833 : f32 to vector<16xf32>
      %add3A_886 = arith.addf %get3A_884, %add3A_885 : vector<16xf32>
      %mul3A_887 = arith.mulf %add3A_880, %add3A_886 : vector<16xf32>
      %add3A_888 = arith.addf %add3A_874, %mul3A_887 : vector<16xf32>
      %swap3A_889 = arith.index_cast %add3A_829 : i32 to index
      %swap3A_890 = arith.constant 0 : index
      %swap3A_891 = tpu.vector_load %arg15[%swap3A_889, %swap3A_890] {strides = array<i32>} : memref<512x16xf32, #tpu.memory_space<vmem>>, vector<1x16xf32>,
      %swap3A_892 = vector.shape_cast %swap3A_891 : vector<1x16xf32> to vector<16xf32>
      %swap3A_893 = vector.shape_cast %add3A_888 : vector<16xf32> to vector<1x16xf32>
      tpu.vector_store %arg15[%swap3A_889, %swap3A_890], %swap3A_893 {strides = array<i32>} : memref<512x16xf32, #tpu.memory_space<vmem>>, vector<1x16xf32>,
      %add3A_894 = arith.constant 10 : i32
      %add3A_895 = arith.addi %mul3A_231, %add3A_894 : i32
      %slice3A_896 = vector.extract_strided_slice %get3A_233 {offsets = [10], sizes = [1], strides = [1]} : vector<16xf32> to vector<1xf32>
      %squeeze3A_897 = vector.extract %slice3A_896[0] : f32 from vector<1xf32>
      %slice3A_898 = vector.extract_strided_slice %get3A_236 {offsets = [10], sizes = [1], strides = [1]} : vector<16xf32> to vector<1xf32>
      %squeeze3A_899 = vector.extract %slice3A_898[0] : f32 from vector<1xf32>
      %get3A_900 = arith.index_cast %add3A_895 : i32 to index
      %get3A_901 = arith.constant 0 : index
      %get3A_902 = tpu.vector_load %arg11[%get3A_900, %get3A_901] {strides = array<i32>} : memref<512x64xf32, #tpu.memory_space<vmem>>, vector<1x16xf32>,
      %get3A_903 = vector.shape_cast %get3A_902 : vector<1x16xf32> to vector<16xf32>
      %add3A_904 = vector.broadcast %squeeze3A_897 : f32 to vector<16xf32>
      %add3A_905 = arith.addf %get3A_903, %add3A_904 : vector<16xf32>
      %get3A_906 = arith.index_cast %add3A_895 : i32 to index
      %get3A_907 = arith.constant 0 : index
      %get3A_908 = tpu.vector_load %arg12[%get3A_906, %get3A_907] {strides = array<i32>} : memref<512x64xf32, #tpu.memory_space<vmem>>, vector<1x16xf32>,
      %get3A_909 = vector.shape_cast %get3A_908 : vector<1x16xf32> to vector<16xf32>
      %add3A_910 = vector.broadcast %squeeze3A_899 : f32 to vector<16xf32>
      %add3A_911 = arith.addf %get3A_909, %add3A_910 : vector<16xf32>
      %mul3A_912 = arith.mulf %add3A_905, %add3A_911 : vector<16xf32>
      %get3A_913 = arith.index_cast %add3A_895 : i32 to index
      %get3A_914 = arith.constant 16 : index
      %get3A_915 = tpu.vector_load %arg11[%get3A_913, %get3A_914] {strides = array<i32>} : memref<512x64xf32, #tpu.memory_space<vmem>>, vector<1x16xf32>,
      %get3A_916 = vector.shape_cast %get3A_915 : vector<1x16xf32> to vector<16xf32>
      %add3A_917 = vector.broadcast %squeeze3A_897 : f32 to vector<16xf32>
      %add3A_918 = arith.addf %get3A_916, %add3A_917 : vector<16xf32>
      %get3A_919 = arith.index_cast %add3A_895 : i32 to index
      %get3A_920 = arith.constant 16 : index
      %get3A_921 = tpu.vector_load %arg12[%get3A_919, %get3A_920] {strides = array<i32>} : memref<512x64xf32, #tpu.memory_space<vmem>>, vector<1x16xf32>,
      %get3A_922 = vector.shape_cast %get3A_921 : vector<1x16xf32> to vector<16xf32>
      %add3A_923 = vector.broadcast %squeeze3A_899 : f32 to vector<16xf32>
      %add3A_924 = arith.addf %get3A_922, %add3A_923 : vector<16xf32>
      %mul3A_925 = arith.mulf %add3A_918, %add3A_924 : vector<16xf32>
      %add3A_926 = arith.addf %mul3A_912, %mul3A_925 : vector<16xf32>
      %get3A_927 = arith.index_cast %add3A_895 : i32 to index
      %get3A_928 = arith.constant 32 : index
      %get3A_929 = tpu.vector_load %arg11[%get3A_927, %get3A_928] {strides = array<i32>} : memref<512x64xf32, #tpu.memory_space<vmem>>, vector<1x16xf32>,
      %get3A_930 = vector.shape_cast %get3A_929 : vector<1x16xf32> to vector<16xf32>
      %add3A_931 = vector.broadcast %squeeze3A_897 : f32 to vector<16xf32>
      %add3A_932 = arith.addf %get3A_930, %add3A_931 : vector<16xf32>
      %get3A_933 = arith.index_cast %add3A_895 : i32 to index
      %get3A_934 = arith.constant 32 : index
      %get3A_935 = tpu.vector_load %arg12[%get3A_933, %get3A_934] {strides = array<i32>} : memref<512x64xf32, #tpu.memory_space<vmem>>, vector<1x16xf32>,
      %get3A_936 = vector.shape_cast %get3A_935 : vector<1x16xf32> to vector<16xf32>
      %add3A_937 = vector.broadcast %squeeze3A_899 : f32 to vector<16xf32>
      %add3A_938 = arith.addf %get3A_936, %add3A_937 : vector<16xf32>
      %mul3A_939 = arith.mulf %add3A_932, %add3A_938 : vector<16xf32>
      %add3A_940 = arith.addf %add3A_926, %mul3A_939 : vector<16xf32>
      %get3A_941 = arith.index_cast %add3A_895 : i32 to index
      %get3A_942 = arith.constant 48 : index
      %get3A_943 = tpu.vector_load %arg11[%get3A_941, %get3A_942] {strides = array<i32>} : memref<512x64xf32, #tpu.memory_space<vmem>>, vector<1x16xf32>,
      %get3A_944 = vector.shape_cast %get3A_943 : vector<1x16xf32> to vector<16xf32>
      %add3A_945 = vector.broadcast %squeeze3A_897 : f32 to vector<16xf32>
      %add3A_946 = arith.addf %get3A_944, %add3A_945 : vector<16xf32>
      %get3A_947 = arith.index_cast %add3A_895 : i32 to index
      %get3A_948 = arith.constant 48 : index
      %get3A_949 = tpu.vector_load %arg12[%get3A_947, %get3A_948] {strides = array<i32>} : memref<512x64xf32, #tpu.memory_space<vmem>>, vector<1x16xf32>,
      %get3A_950 = vector.shape_cast %get3A_949 : vector<1x16xf32> to vector<16xf32>
      %add3A_951 = vector.broadcast %squeeze3A_899 : f32 to vector<16xf32>
      %add3A_952 = arith.addf %get3A_950, %add3A_951 : vector<16xf32>
      %mul3A_953 = arith.mulf %add3A_946, %add3A_952 : vector<16xf32>
      %add3A_954 = arith.addf %add3A_940, %mul3A_953 : vector<16xf32>
      %swap3A_955 = arith.index_cast %add3A_895 : i32 to index
      %swap3A_956 = arith.constant 0 : index
      %swap3A_957 = tpu.vector_load %arg15[%swap3A_955, %swap3A_956] {strides = array<i32>} : memref<512x16xf32, #tpu.memory_space<vmem>>, vector<1x16xf32>,
      %swap3A_958 = vector.shape_cast %swap3A_957 : vector<1x16xf32> to vector<16xf32>
      %swap3A_959 = vector.shape_cast %add3A_954 : vector<16xf32> to vector<1x16xf32>
      tpu.vector_store %arg15[%swap3A_955, %swap3A_956], %swap3A_959 {strides = array<i32>} : memref<512x16xf32, #tpu.memory_space<vmem>>, vector<1x16xf32>,
      %add3A_960 = arith.constant 11 : i32
      %add3A_961 = arith.addi %mul3A_231, %add3A_960 : i32
      %slice3A_962 = vector.extract_strided_slice %get3A_233 {offsets = [11], sizes = [1], strides = [1]} : vector<16xf32> to vector<1xf32>
      %squeeze3A_963 = vector.extract %slice3A_962[0] : f32 from vector<1xf32>
      %slice3A_964 = vector.extract_strided_slice %get3A_236 {offsets = [11], sizes = [1], strides = [1]} : vector<16xf32> to vector<1xf32>
      %squeeze3A_965 = vector.extract %slice3A_964[0] : f32 from vector<1xf32>
      %get3A_966 = arith.index_cast %add3A_961 : i32 to index
      %get3A_967 = arith.constant 0 : index
      %get3A_968 = tpu.vector_load %arg11[%get3A_966, %get3A_967] {strides = array<i32>} : memref<512x64xf32, #tpu.memory_space<vmem>>, vector<1x16xf32>,
      %get3A_969 = vector.shape_cast %get3A_968 : vector<1x16xf32> to vector<16xf32>
      %add3A_970 = vector.broadcast %squeeze3A_963 : f32 to vector<16xf32>
      %add3A_971 = arith.addf %get3A_969, %add3A_970 : vector<16xf32>
      %get3A_972 = arith.index_cast %add3A_961 : i32 to index
      %get3A_973 = arith.constant 0 : index
      %get3A_974 = tpu.vector_load %arg12[%get3A_972, %get3A_973] {strides = array<i32>} : memref<512x64xf32, #tpu.memory_space<vmem>>, vector<1x16xf32>,
      %get3A_975 = vector.shape_cast %get3A_974 : vector<1x16xf32> to vector<16xf32>
      %add3A_976 = vector.broadcast %squeeze3A_965 : f32 to vector<16xf32>
      %add3A_977 = arith.addf %get3A_975, %add3A_976 : vector<16xf32>
      %mul3A_978 = arith.mulf %add3A_971, %add3A_977 : vector<16xf32>
      %get3A_979 = arith.index_cast %add3A_961 : i32 to index
      %get3A_980 = arith.constant 16 : index
      %get3A_981 = tpu.vector_load %arg11[%get3A_979, %get3A_980] {strides = array<i32>} : memref<512x64xf32, #tpu.memory_space<vmem>>, vector<1x16xf32>,
      %get3A_982 = vector.shape_cast %get3A_981 : vector<1x16xf32> to vector<16xf32>
      %add3A_983 = vector.broadcast %squeeze3A_963 : f32 to vector<16xf32>
      %add3A_984 = arith.addf %get3A_982, %add3A_983 : vector<16xf32>
      %get3A_985 = arith.index_cast %add3A_961 : i32 to index
      %get3A_986 = arith.constant 16 : index
      %get3A_987 = tpu.vector_load %arg12[%get3A_985, %get3A_986] {strides = array<i32>} : memref<512x64xf32, #tpu.memory_space<vmem>>, vector<1x16xf32>,
      %get3A_988 = vector.shape_cast %get3A_987 : vector<1x16xf32> to vector<16xf32>
      %add3A_989 = vector.broadcast %squeeze3A_965 : f32 to vector<16xf32>
      %add3A_990 = arith.addf %get3A_988, %add3A_989 : vector<16xf32>
      %mul3A_991 = arith.mulf %add3A_984, %add3A_990 : vector<16xf32>
      %add3A_992 = arith.addf %mul3A_978, %mul3A_991 : vector<16xf32>
      %get3A_993 = arith.index_cast %add3A_961 : i32 to index
      %get3A_994 = arith.constant 32 : index
      %get3A_995 = tpu.vector_load %arg11[%get3A_993, %get3A_994] {strides = array<i32>} : memref<512x64xf32, #tpu.memory_space<vmem>>, vector<1x16xf32>,
      %get3A_996 = vector.shape_cast %get3A_995 : vector<1x16xf32> to vector<16xf32>
      %add3A_997 = vector.broadcast %squeeze3A_963 : f32 to vector<16xf32>
      %add3A_998 = arith.addf %get3A_996, %add3A_997 : vector<16xf32>
      %get3A_999 = arith.index_cast %add3A_961 : i32 to index
      %get3A_1000 = arith.constant 32 : index
      %get3A_1001 = tpu.vector_load %arg12[%get3A_999, %get3A_1000] {strides = array<i32>} : memref<512x64xf32, #tpu.memory_space<vmem>>, vector<1x16xf32>,
      %get3A_1002 = vector.shape_cast %get3A_1001 : vector<1x16xf32> to vector<16xf32>
      %add3A_1003 = vector.broadcast %squeeze3A_965 : f32 to vector<16xf32>
      %add3A_1004 = arith.addf %get3A_1002, %add3A_1003 : vector<16xf32>
      %mul3A_1005 = arith.mulf %add3A_998, %add3A_1004 : vector<16xf32>
      %add3A_1006 = arith.addf %add3A_992, %mul3A_1005 : vector<16xf32>
      %get3A_1007 = arith.index_cast %add3A_961 : i32 to index
      %get3A_1008 = arith.constant 48 : index
      %get3A_1009 = tpu.vector_load %arg11[%get3A_1007, %get3A_1008] {strides = array<i32>} : memref<512x64xf32, #tpu.memory_space<vmem>>, vector<1x16xf32>,
      %get3A_1010 = vector.shape_cast %get3A_1009 : vector<1x16xf32> to vector<16xf32>
      %add3A_1011 = vector.broadcast %squeeze3A_963 : f32 to vector<16xf32>
      %add3A_1012 = arith.addf %get3A_1010, %add3A_1011 : vector<16xf32>
      %get3A_1013 = arith.index_cast %add3A_961 : i32 to index
      %get3A_1014 = arith.constant 48 : index
      %get3A_1015 = tpu.vector_load %arg12[%get3A_1013, %get3A_1014] {strides = array<i32>} : memref<512x64xf32, #tpu.memory_space<vmem>>, vector<1x16xf32>,
      %get3A_1016 = vector.shape_cast %get3A_1015 : vector<1x16xf32> to vector<16xf32>
      %add3A_1017 = vector.broadcast %squeeze3A_965 : f32 to vector<16xf32>
      %add3A_1018 = arith.addf %get3A_1016, %add3A_1017 : vector<16xf32>
      %mul3A_1019 = arith.mulf %add3A_1012, %add3A_1018 : vector<16xf32>
      %add3A_1020 = arith.addf %add3A_1006, %mul3A_1019 : vector<16xf32>
      %swap3A_1021 = arith.index_cast %add3A_961 : i32 to index
      %swap3A_1022 = arith.constant 0 : index
      %swap3A_1023 = tpu.vector_load %arg15[%swap3A_1021, %swap3A_1022] {strides = array<i32>} : memref<512x16xf32, #tpu.memory_space<vmem>>, vector<1x16xf32>,
      %swap3A_1024 = vector.shape_cast %swap3A_1023 : vector<1x16xf32> to vector<16xf32>
      %swap3A_1025 = vector.shape_cast %add3A_1020 : vector<16xf32> to vector<1x16xf32>
      tpu.vector_store %arg15[%swap3A_1021, %swap3A_1022], %swap3A_1025 {strides = array<i32>} : memref<512x16xf32, #tpu.memory_space<vmem>>, vector<1x16xf32>,
      %add3A_1026 = arith.constant 12 : i32
      %add3A_1027 = arith.addi %mul3A_231, %add3A_1026 : i32
      %slice3A_1028 = vector.extract_strided_slice %get3A_233 {offsets = [12], sizes = [1], strides = [1]} : vector<16xf32> to vector<1xf32>
      %squeeze3A_1029 = vector.extract %slice3A_1028[0] : f32 from vector<1xf32>
      %slice3A_1030 = vector.extract_strided_slice %get3A_236 {offsets = [12], sizes = [1], strides = [1]} : vector<16xf32> to vector<1xf32>
      %squeeze3A_1031 = vector.extract %slice3A_1030[0] : f32 from vector<1xf32>
      %get3A_1032 = arith.index_cast %add3A_1027 : i32 to index
      %get3A_1033 = arith.constant 0 : index
      %get3A_1034 = tpu.vector_load %arg11[%get3A_1032, %get3A_1033] {strides = array<i32>} : memref<512x64xf32, #tpu.memory_space<vmem>>, vector<1x16xf32>,
      %get3A_1035 = vector.shape_cast %get3A_1034 : vector<1x16xf32> to vector<16xf32>
      %add3A_1036 = vector.broadcast %squeeze3A_1029 : f32 to vector<16xf32>
      %add3A_1037 = arith.addf %get3A_1035, %add3A_1036 : vector<16xf32>
      %get3A_1038 = arith.index_cast %add3A_1027 : i32 to index
      %get3A_1039 = arith.constant 0 : index
      %get3A_1040 = tpu.vector_load %arg12[%get3A_1038, %get3A_1039] {strides = array<i32>} : memref<512x64xf32, #tpu.memory_space<vmem>>, vector<1x16xf32>,
      %get3A_1041 = vector.shape_cast %get3A_1040 : vector<1x16xf32> to vector<16xf32>
      %add3A_1042 = vector.broadcast %squeeze3A_1031 : f32 to vector<16xf32>
      %add3A_1043 = arith.addf %get3A_1041, %add3A_1042 : vector<16xf32>
      %mul3A_1044 = arith.mulf %add3A_1037, %add3A_1043 : vector<16xf32>
      %get3A_1045 = arith.index_cast %add3A_1027 : i32 to index
      %get3A_1046 = arith.constant 16 : index
      %get3A_1047 = tpu.vector_load %arg11[%get3A_1045, %get3A_1046] {strides = array<i32>} : memref<512x64xf32, #tpu.memory_space<vmem>>, vector<1x16xf32>,
      %get3A_1048 = vector.shape_cast %get3A_1047 : vector<1x16xf32> to vector<16xf32>
      %add3A_1049 = vector.broadcast %squeeze3A_1029 : f32 to vector<16xf32>
      %add3A_1050 = arith.addf %get3A_1048, %add3A_1049 : vector<16xf32>
      %get3A_1051 = arith.index_cast %add3A_1027 : i32 to index
      %get3A_1052 = arith.constant 16 : index
      %get3A_1053 = tpu.vector_load %arg12[%get3A_1051, %get3A_1052] {strides = array<i32>} : memref<512x64xf32, #tpu.memory_space<vmem>>, vector<1x16xf32>,
      %get3A_1054 = vector.shape_cast %get3A_1053 : vector<1x16xf32> to vector<16xf32>
      %add3A_1055 = vector.broadcast %squeeze3A_1031 : f32 to vector<16xf32>
      %add3A_1056 = arith.addf %get3A_1054, %add3A_1055 : vector<16xf32>
      %mul3A_1057 = arith.mulf %add3A_1050, %add3A_1056 : vector<16xf32>
      %add3A_1058 = arith.addf %mul3A_1044, %mul3A_1057 : vector<16xf32>
      %get3A_1059 = arith.index_cast %add3A_1027 : i32 to index
      %get3A_1060 = arith.constant 32 : index
      %get3A_1061 = tpu.vector_load %arg11[%get3A_1059, %get3A_1060] {strides = array<i32>} : memref<512x64xf32, #tpu.memory_space<vmem>>, vector<1x16xf32>,
      %get3A_1062 = vector.shape_cast %get3A_1061 : vector<1x16xf32> to vector<16xf32>
      %add3A_1063 = vector.broadcast %squeeze3A_1029 : f32 to vector<16xf32>
      %add3A_1064 = arith.addf %get3A_1062, %add3A_1063 : vector<16xf32>
      %get3A_1065 = arith.index_cast %add3A_1027 : i32 to index
      %get3A_1066 = arith.constant 32 : index
      %get3A_1067 = tpu.vector_load %arg12[%get3A_1065, %get3A_1066] {strides = array<i32>} : memref<512x64xf32, #tpu.memory_space<vmem>>, vector<1x16xf32>,
      %get3A_1068 = vector.shape_cast %get3A_1067 : vector<1x16xf32> to vector<16xf32>
      %add3A_1069 = vector.broadcast %squeeze3A_1031 : f32 to vector<16xf32>
      %add3A_1070 = arith.addf %get3A_1068, %add3A_1069 : vector<16xf32>
      %mul3A_1071 = arith.mulf %add3A_1064, %add3A_1070 : vector<16xf32>
      %add3A_1072 = arith.addf %add3A_1058, %mul3A_1071 : vector<16xf32>
      %get3A_1073 = arith.index_cast %add3A_1027 : i32 to index
      %get3A_1074 = arith.constant 48 : index
      %get3A_1075 = tpu.vector_load %arg11[%get3A_1073, %get3A_1074] {strides = array<i32>} : memref<512x64xf32, #tpu.memory_space<vmem>>, vector<1x16xf32>,
      %get3A_1076 = vector.shape_cast %get3A_1075 : vector<1x16xf32> to vector<16xf32>
      %add3A_1077 = vector.broadcast %squeeze3A_1029 : f32 to vector<16xf32>
      %add3A_1078 = arith.addf %get3A_1076, %add3A_1077 : vector<16xf32>
      %get3A_1079 = arith.index_cast %add3A_1027 : i32 to index
      %get3A_1080 = arith.constant 48 : index
      %get3A_1081 = tpu.vector_load %arg12[%get3A_1079, %get3A_1080] {strides = array<i32>} : memref<512x64xf32, #tpu.memory_space<vmem>>, vector<1x16xf32>,
      %get3A_1082 = vector.shape_cast %get3A_1081 : vector<1x16xf32> to vector<16xf32>
      %add3A_1083 = vector.broadcast %squeeze3A_1031 : f32 to vector<16xf32>
      %add3A_1084 = arith.addf %get3A_1082, %add3A_1083 : vector<16xf32>
      %mul3A_1085 = arith.mulf %add3A_1078, %add3A_1084 : vector<16xf32>
      %add3A_1086 = arith.addf %add3A_1072, %mul3A_1085 : vector<16xf32>
      %swap3A_1087 = arith.index_cast %add3A_1027 : i32 to index
      %swap3A_1088 = arith.constant 0 : index
      %swap3A_1089 = tpu.vector_load %arg15[%swap3A_1087, %swap3A_1088] {strides = array<i32>} : memref<512x16xf32, #tpu.memory_space<vmem>>, vector<1x16xf32>,
      %swap3A_1090 = vector.shape_cast %swap3A_1089 : vector<1x16xf32> to vector<16xf32>
      %swap3A_1091 = vector.shape_cast %add3A_1086 : vector<16xf32> to vector<1x16xf32>
      tpu.vector_store %arg15[%swap3A_1087, %swap3A_1088], %swap3A_1091 {strides = array<i32>} : memref<512x16xf32, #tpu.memory_space<vmem>>, vector<1x16xf32>,
      %add3A_1092 = arith.constant 13 : i32
      %add3A_1093 = arith.addi %mul3A_231, %add3A_1092 : i32
      %slice3A_1094 = vector.extract_strided_slice %get3A_233 {offsets = [13], sizes = [1], strides = [1]} : vector<16xf32> to vector<1xf32>
      %squeeze3A_1095 = vector.extract %slice3A_1094[0] : f32 from vector<1xf32>
      %slice3A_1096 = vector.extract_strided_slice %get3A_236 {offsets = [13], sizes = [1], strides = [1]} : vector<16xf32> to vector<1xf32>
      %squeeze3A_1097 = vector.extract %slice3A_1096[0] : f32 from vector<1xf32>
      %get3A_1098 = arith.index_cast %add3A_1093 : i32 to index
      %get3A_1099 = arith.constant 0 : index
      %get3A_1100 = tpu.vector_load %arg11[%get3A_1098, %get3A_1099] {strides = array<i32>} : memref<512x64xf32, #tpu.memory_space<vmem>>, vector<1x16xf32>,
      %get3A_1101 = vector.shape_cast %get3A_1100 : vector<1x16xf32> to vector<16xf32>
      %add3A_1102 = vector.broadcast %squeeze3A_1095 : f32 to vector<16xf32>
      %add3A_1103 = arith.addf %get3A_1101, %add3A_1102 : vector<16xf32>
      %get3A_1104 = arith.index_cast %add3A_1093 : i32 to index
      %get3A_1105 = arith.constant 0 : index
      %get3A_1106 = tpu.vector_load %arg12[%get3A_1104, %get3A_1105] {strides = array<i32>} : memref<512x64xf32, #tpu.memory_space<vmem>>, vector<1x16xf32>,
      %get3A_1107 = vector.shape_cast %get3A_1106 : vector<1x16xf32> to vector<16xf32>
      %add3A_1108 = vector.broadcast %squeeze3A_1097 : f32 to vector<16xf32>
      %add3A_1109 = arith.addf %get3A_1107, %add3A_1108 : vector<16xf32>
      %mul3A_1110 = arith.mulf %add3A_1103, %add3A_1109 : vector<16xf32>
      %get3A_1111 = arith.index_cast %add3A_1093 : i32 to index
      %get3A_1112 = arith.constant 16 : index
      %get3A_1113 = tpu.vector_load %arg11[%get3A_1111, %get3A_1112] {strides = array<i32>} : memref<512x64xf32, #tpu.memory_space<vmem>>, vector<1x16xf32>,
      %get3A_1114 = vector.shape_cast %get3A_1113 : vector<1x16xf32> to vector<16xf32>
      %add3A_1115 = vector.broadcast %squeeze3A_1095 : f32 to vector<16xf32>
      %add3A_1116 = arith.addf %get3A_1114, %add3A_1115 : vector<16xf32>
      %get3A_1117 = arith.index_cast %add3A_1093 : i32 to index
      %get3A_1118 = arith.constant 16 : index
      %get3A_1119 = tpu.vector_load %arg12[%get3A_1117, %get3A_1118] {strides = array<i32>} : memref<512x64xf32, #tpu.memory_space<vmem>>, vector<1x16xf32>,
      %get3A_1120 = vector.shape_cast %get3A_1119 : vector<1x16xf32> to vector<16xf32>
      %add3A_1121 = vector.broadcast %squeeze3A_1097 : f32 to vector<16xf32>
      %add3A_1122 = arith.addf %get3A_1120, %add3A_1121 : vector<16xf32>
      %mul3A_1123 = arith.mulf %add3A_1116, %add3A_1122 : vector<16xf32>
      %add3A_1124 = arith.addf %mul3A_1110, %mul3A_1123 : vector<16xf32>
      %get3A_1125 = arith.index_cast %add3A_1093 : i32 to index
      %get3A_1126 = arith.constant 32 : index
      %get3A_1127 = tpu.vector_load %arg11[%get3A_1125, %get3A_1126] {strides = array<i32>} : memref<512x64xf32, #tpu.memory_space<vmem>>, vector<1x16xf32>,
      %get3A_1128 = vector.shape_cast %get3A_1127 : vector<1x16xf32> to vector<16xf32>
      %add3A_1129 = vector.broadcast %squeeze3A_1095 : f32 to vector<16xf32>
      %add3A_1130 = arith.addf %get3A_1128, %add3A_1129 : vector<16xf32>
      %get3A_1131 = arith.index_cast %add3A_1093 : i32 to index
      %get3A_1132 = arith.constant 32 : index
      %get3A_1133 = tpu.vector_load %arg12[%get3A_1131, %get3A_1132] {strides = array<i32>} : memref<512x64xf32, #tpu.memory_space<vmem>>, vector<1x16xf32>,
      %get3A_1134 = vector.shape_cast %get3A_1133 : vector<1x16xf32> to vector<16xf32>
      %add3A_1135 = vector.broadcast %squeeze3A_1097 : f32 to vector<16xf32>
      %add3A_1136 = arith.addf %get3A_1134, %add3A_1135 : vector<16xf32>
      %mul3A_1137 = arith.mulf %add3A_1130, %add3A_1136 : vector<16xf32>
      %add3A_1138 = arith.addf %add3A_1124, %mul3A_1137 : vector<16xf32>
      %get3A_1139 = arith.index_cast %add3A_1093 : i32 to index
      %get3A_1140 = arith.constant 48 : index
      %get3A_1141 = tpu.vector_load %arg11[%get3A_1139, %get3A_1140] {strides = array<i32>} : memref<512x64xf32, #tpu.memory_space<vmem>>, vector<1x16xf32>,
      %get3A_1142 = vector.shape_cast %get3A_1141 : vector<1x16xf32> to vector<16xf32>
      %add3A_1143 = vector.broadcast %squeeze3A_1095 : f32 to vector<16xf32>
      %add3A_1144 = arith.addf %get3A_1142, %add3A_1143 : vector<16xf32>
      %get3A_1145 = arith.index_cast %add3A_1093 : i32 to index
      %get3A_1146 = arith.constant 48 : index
      %get3A_1147 = tpu.vector_load %arg12[%get3A_1145, %get3A_1146] {strides = array<i32>} : memref<512x64xf32, #tpu.memory_space<vmem>>, vector<1x16xf32>,
      %get3A_1148 = vector.shape_cast %get3A_1147 : vector<1x16xf32> to vector<16xf32>
      %add3A_1149 = vector.broadcast %squeeze3A_1097 : f32 to vector<16xf32>
      %add3A_1150 = arith.addf %get3A_1148, %add3A_1149 : vector<16xf32>
      %mul3A_1151 = arith.mulf %add3A_1144, %add3A_1150 : vector<16xf32>
      %add3A_1152 = arith.addf %add3A_1138, %mul3A_1151 : vector<16xf32>
      %swap3A_1153 = arith.index_cast %add3A_1093 : i32 to index
      %swap3A_1154 = arith.constant 0 : index
      %swap3A_1155 = tpu.vector_load %arg15[%swap3A_1153, %swap3A_1154] {strides = array<i32>} : memref<512x16xf32, #tpu.memory_space<vmem>>, vector<1x16xf32>,
      %swap3A_1156 = vector.shape_cast %swap3A_1155 : vector<1x16xf32> to vector<16xf32>
      %swap3A_1157 = vector.shape_cast %add3A_1152 : vector<16xf32> to vector<1x16xf32>
      tpu.vector_store %arg15[%swap3A_1153, %swap3A_1154], %swap3A_1157 {strides = array<i32>} : memref<512x16xf32, #tpu.memory_space<vmem>>, vector<1x16xf32>,
      %add3A_1158 = arith.constant 14 : i32
      %add3A_1159 = arith.addi %mul3A_231, %add3A_1158 : i32
      %slice3A_1160 = vector.extract_strided_slice %get3A_233 {offsets = [14], sizes = [1], strides = [1]} : vector<16xf32> to vector<1xf32>
      %squeeze3A_1161 = vector.extract %slice3A_1160[0] : f32 from vector<1xf32>
      %slice3A_1162 = vector.extract_strided_slice %get3A_236 {offsets = [14], sizes = [1], strides = [1]} : vector<16xf32> to vector<1xf32>
      %squeeze3A_1163 = vector.extract %slice3A_1162[0] : f32 from vector<1xf32>
      %get3A_1164 = arith.index_cast %add3A_1159 : i32 to index
      %get3A_1165 = arith.constant 0 : index
      %get3A_1166 = tpu.vector_load %arg11[%get3A_1164, %get3A_1165] {strides = array<i32>} : memref<512x64xf32, #tpu.memory_space<vmem>>, vector<1x16xf32>,
      %get3A_1167 = vector.shape_cast %get3A_1166 : vector<1x16xf32> to vector<16xf32>
      %add3A_1168 = vector.broadcast %squeeze3A_1161 : f32 to vector<16xf32>
      %add3A_1169 = arith.addf %get3A_1167, %add3A_1168 : vector<16xf32>
      %get3A_1170 = arith.index_cast %add3A_1159 : i32 to index
      %get3A_1171 = arith.constant 0 : index
      %get3A_1172 = tpu.vector_load %arg12[%get3A_1170, %get3A_1171] {strides = array<i32>} : memref<512x64xf32, #tpu.memory_space<vmem>>, vector<1x16xf32>,
      %get3A_1173 = vector.shape_cast %get3A_1172 : vector<1x16xf32> to vector<16xf32>
      %add3A_1174 = vector.broadcast %squeeze3A_1163 : f32 to vector<16xf32>
      %add3A_1175 = arith.addf %get3A_1173, %add3A_1174 : vector<16xf32>
      %mul3A_1176 = arith.mulf %add3A_1169, %add3A_1175 : vector<16xf32>
      %get3A_1177 = arith.index_cast %add3A_1159 : i32 to index
      %get3A_1178 = arith.constant 16 : index
      %get3A_1179 = tpu.vector_load %arg11[%get3A_1177, %get3A_1178] {strides = array<i32>} : memref<512x64xf32, #tpu.memory_space<vmem>>, vector<1x16xf32>,
      %get3A_1180 = vector.shape_cast %get3A_1179 : vector<1x16xf32> to vector<16xf32>
      %add3A_1181 = vector.broadcast %squeeze3A_1161 : f32 to vector<16xf32>
      %add3A_1182 = arith.addf %get3A_1180, %add3A_1181 : vector<16xf32>
      %get3A_1183 = arith.index_cast %add3A_1159 : i32 to index
      %get3A_1184 = arith.constant 16 : index
      %get3A_1185 = tpu.vector_load %arg12[%get3A_1183, %get3A_1184] {strides = array<i32>} : memref<512x64xf32, #tpu.memory_space<vmem>>, vector<1x16xf32>,
      %get3A_1186 = vector.shape_cast %get3A_1185 : vector<1x16xf32> to vector<16xf32>
      %add3A_1187 = vector.broadcast %squeeze3A_1163 : f32 to vector<16xf32>
      %add3A_1188 = arith.addf %get3A_1186, %add3A_1187 : vector<16xf32>
      %mul3A_1189 = arith.mulf %add3A_1182, %add3A_1188 : vector<16xf32>
      %add3A_1190 = arith.addf %mul3A_1176, %mul3A_1189 : vector<16xf32>
      %get3A_1191 = arith.index_cast %add3A_1159 : i32 to index
      %get3A_1192 = arith.constant 32 : index
      %get3A_1193 = tpu.vector_load %arg11[%get3A_1191, %get3A_1192] {strides = array<i32>} : memref<512x64xf32, #tpu.memory_space<vmem>>, vector<1x16xf32>,
      %get3A_1194 = vector.shape_cast %get3A_1193 : vector<1x16xf32> to vector<16xf32>
      %add3A_1195 = vector.broadcast %squeeze3A_1161 : f32 to vector<16xf32>
      %add3A_1196 = arith.addf %get3A_1194, %add3A_1195 : vector<16xf32>
      %get3A_1197 = arith.index_cast %add3A_1159 : i32 to index
      %get3A_1198 = arith.constant 32 : index
      %get3A_1199 = tpu.vector_load %arg12[%get3A_1197, %get3A_1198] {strides = array<i32>} : memref<512x64xf32, #tpu.memory_space<vmem>>, vector<1x16xf32>,
      %get3A_1200 = vector.shape_cast %get3A_1199 : vector<1x16xf32> to vector<16xf32>
      %add3A_1201 = vector.broadcast %squeeze3A_1163 : f32 to vector<16xf32>
      %add3A_1202 = arith.addf %get3A_1200, %add3A_1201 : vector<16xf32>
      %mul3A_1203 = arith.mulf %add3A_1196, %add3A_1202 : vector<16xf32>
      %add3A_1204 = arith.addf %add3A_1190, %mul3A_1203 : vector<16xf32>
      %get3A_1205 = arith.index_cast %add3A_1159 : i32 to index
      %get3A_1206 = arith.constant 48 : index
      %get3A_1207 = tpu.vector_load %arg11[%get3A_1205, %get3A_1206] {strides = array<i32>} : memref<512x64xf32, #tpu.memory_space<vmem>>, vector<1x16xf32>,
      %get3A_1208 = vector.shape_cast %get3A_1207 : vector<1x16xf32> to vector<16xf32>
      %add3A_1209 = vector.broadcast %squeeze3A_1161 : f32 to vector<16xf32>
      %add3A_1210 = arith.addf %get3A_1208, %add3A_1209 : vector<16xf32>
      %get3A_1211 = arith.index_cast %add3A_1159 : i32 to index
      %get3A_1212 = arith.constant 48 : index
      %get3A_1213 = tpu.vector_load %arg12[%get3A_1211, %get3A_1212] {strides = array<i32>} : memref<512x64xf32, #tpu.memory_space<vmem>>, vector<1x16xf32>,
      %get3A_1214 = vector.shape_cast %get3A_1213 : vector<1x16xf32> to vector<16xf32>
      %add3A_1215 = vector.broadcast %squeeze3A_1163 : f32 to vector<16xf32>
      %add3A_1216 = arith.addf %get3A_1214, %add3A_1215 : vector<16xf32>
      %mul3A_1217 = arith.mulf %add3A_1210, %add3A_1216 : vector<16xf32>
      %add3A_1218 = arith.addf %add3A_1204, %mul3A_1217 : vector<16xf32>
      %swap3A_1219 = arith.index_cast %add3A_1159 : i32 to index
      %swap3A_1220 = arith.constant 0 : index
      %swap3A_1221 = tpu.vector_load %arg15[%swap3A_1219, %swap3A_1220] {strides = array<i32>} : memref<512x16xf32, #tpu.memory_space<vmem>>, vector<1x16xf32>,
      %swap3A_1222 = vector.shape_cast %swap3A_1221 : vector<1x16xf32> to vector<16xf32>
      %swap3A_1223 = vector.shape_cast %add3A_1218 : vector<16xf32> to vector<1x16xf32>
      tpu.vector_store %arg15[%swap3A_1219, %swap3A_1220], %swap3A_1223 {strides = array<i32>} : memref<512x16xf32, #tpu.memory_space<vmem>>, vector<1x16xf32>,
      %add3A_1224 = arith.constant 15 : i32
      %add3A_1225 = arith.addi %mul3A_231, %add3A_1224 : i32
      %slice3A_1226 = vector.extract_strided_slice %get3A_233 {offsets = [15], sizes = [1], strides = [1]} : vector<16xf32> to vector<1xf32>
      %squeeze3A_1227 = vector.extract %slice3A_1226[0] : f32 from vector<1xf32>
      %slice3A_1228 = vector.extract_strided_slice %get3A_236 {offsets = [15], sizes = [1], strides = [1]} : vector<16xf32> to vector<1xf32>
      %squeeze3A_1229 = vector.extract %slice3A_1228[0] : f32 from vector<1xf32>
      %get3A_1230 = arith.index_cast %add3A_1225 : i32 to index
      %get3A_1231 = arith.constant 0 : index
      %get3A_1232 = tpu.vector_load %arg11[%get3A_1230, %get3A_1231] {strides = array<i32>} : memref<512x64xf32, #tpu.memory_space<vmem>>, vector<1x16xf32>,
      %get3A_1233 = vector.shape_cast %get3A_1232 : vector<1x16xf32> to vector<16xf32>
      %add3A_1234 = vector.broadcast %squeeze3A_1227 : f32 to vector<16xf32>
      %add3A_1235 = arith.addf %get3A_1233, %add3A_1234 : vector<16xf32>
      %get3A_1236 = arith.index_cast %add3A_1225 : i32 to index
      %get3A_1237 = arith.constant 0 : index
      %get3A_1238 = tpu.vector_load %arg12[%get3A_1236, %get3A_1237] {strides = array<i32>} : memref<512x64xf32, #tpu.memory_space<vmem>>, vector<1x16xf32>,
      %get3A_1239 = vector.shape_cast %get3A_1238 : vector<1x16xf32> to vector<16xf32>
      %add3A_1240 = vector.broadcast %squeeze3A_1229 : f32 to vector<16xf32>
      %add3A_1241 = arith.addf %get3A_1239, %add3A_1240 : vector<16xf32>
      %mul3A_1242 = arith.mulf %add3A_1235, %add3A_1241 : vector<16xf32>
      %get3A_1243 = arith.index_cast %add3A_1225 : i32 to index
      %get3A_1244 = arith.constant 16 : index
      %get3A_1245 = tpu.vector_load %arg11[%get3A_1243, %get3A_1244] {strides = array<i32>} : memref<512x64xf32, #tpu.memory_space<vmem>>, vector<1x16xf32>,
      %get3A_1246 = vector.shape_cast %get3A_1245 : vector<1x16xf32> to vector<16xf32>
      %add3A_1247 = vector.broadcast %squeeze3A_1227 : f32 to vector<16xf32>
      %add3A_1248 = arith.addf %get3A_1246, %add3A_1247 : vector<16xf32>
      %get3A_1249 = arith.index_cast %add3A_1225 : i32 to index
      %get3A_1250 = arith.constant 16 : index
      %get3A_1251 = tpu.vector_load %arg12[%get3A_1249, %get3A_1250] {strides = array<i32>} : memref<512x64xf32, #tpu.memory_space<vmem>>, vector<1x16xf32>,
      %get3A_1252 = vector.shape_cast %get3A_1251 : vector<1x16xf32> to vector<16xf32>
      %add3A_1253 = vector.broadcast %squeeze3A_1229 : f32 to vector<16xf32>
      %add3A_1254 = arith.addf %get3A_1252, %add3A_1253 : vector<16xf32>
      %mul3A_1255 = arith.mulf %add3A_1248, %add3A_1254 : vector<16xf32>
      %add3A_1256 = arith.addf %mul3A_1242, %mul3A_1255 : vector<16xf32>
      %get3A_1257 = arith.index_cast %add3A_1225 : i32 to index
      %get3A_1258 = arith.constant 32 : index
      %get3A_1259 = tpu.vector_load %arg11[%get3A_1257, %get3A_1258] {strides = array<i32>} : memref<512x64xf32, #tpu.memory_space<vmem>>, vector<1x16xf32>,
      %get3A_1260 = vector.shape_cast %get3A_1259 : vector<1x16xf32> to vector<16xf32>
      %add3A_1261 = vector.broadcast %squeeze3A_1227 : f32 to vector<16xf32>
      %add3A_1262 = arith.addf %get3A_1260, %add3A_1261 : vector<16xf32>
      %get3A_1263 = arith.index_cast %add3A_1225 : i32 to index
      %get3A_1264 = arith.constant 32 : index
      %get3A_1265 = tpu.vector_load %arg12[%get3A_1263, %get3A_1264] {strides = array<i32>} : memref<512x64xf32, #tpu.memory_space<vmem>>, vector<1x16xf32>,
      %get3A_1266 = vector.shape_cast %get3A_1265 : vector<1x16xf32> to vector<16xf32>
      %add3A_1267 = vector.broadcast %squeeze3A_1229 : f32 to vector<16xf32>
      %add3A_1268 = arith.addf %get3A_1266, %add3A_1267 : vector<16xf32>
      %mul3A_1269 = arith.mulf %add3A_1262, %add3A_1268 : vector<16xf32>
      %add3A_1270 = arith.addf %add3A_1256, %mul3A_1269 : vector<16xf32>
      %get3A_1271 = arith.index_cast %add3A_1225 : i32 to index
      %get3A_1272 = arith.constant 48 : index
      %get3A_1273 = tpu.vector_load %arg11[%get3A_1271, %get3A_1272] {strides = array<i32>} : memref<512x64xf32, #tpu.memory_space<vmem>>, vector<1x16xf32>,
      %get3A_1274 = vector.shape_cast %get3A_1273 : vector<1x16xf32> to vector<16xf32>
      %add3A_1275 = vector.broadcast %squeeze3A_1227 : f32 to vector<16xf32>
      %add3A_1276 = arith.addf %get3A_1274, %add3A_1275 : vector<16xf32>
      %get3A_1277 = arith.index_cast %add3A_1225 : i32 to index
      %get3A_1278 = arith.constant 48 : index
      %get3A_1279 = tpu.vector_load %arg12[%get3A_1277, %get3A_1278] {strides = array<i32>} : memref<512x64xf32, #tpu.memory_space<vmem>>, vector<1x16xf32>,
      %get3A_1280 = vector.shape_cast %get3A_1279 : vector<1x16xf32> to vector<16xf32>
      %add3A_1281 = vector.broadcast %squeeze3A_1229 : f32 to vector<16xf32>
      %add3A_1282 = arith.addf %get3A_1280, %add3A_1281 : vector<16xf32>
      %mul3A_1283 = arith.mulf %add3A_1276, %add3A_1282 : vector<16xf32>
      %add3A_1284 = arith.addf %add3A_1270, %mul3A_1283 : vector<16xf32>
      %swap3A_1285 = arith.index_cast %add3A_1225 : i32 to index
      %swap3A_1286 = arith.constant 0 : index
      %swap3A_1287 = tpu.vector_load %arg15[%swap3A_1285, %swap3A_1286] {strides = array<i32>} : memref<512x16xf32, #tpu.memory_space<vmem>>, vector<1x16xf32>,
      %swap3A_1288 = vector.shape_cast %swap3A_1287 : vector<1x16xf32> to vector<16xf32>
      %swap3A_1289 = vector.shape_cast %add3A_1284 : vector<16xf32> to vector<1x16xf32>
      tpu.vector_store %arg15[%swap3A_1285, %swap3A_1286], %swap3A_1289 {strides = array<i32>} : memref<512x16xf32, #tpu.memory_space<vmem>>, vector<1x16xf32>,
    }
    %scan3A_228 = arith.constant 32 : i32
    "tpu.region"() ({
      %run_scoped3A = tpu.sem_alloc : memref<!tpu.dma_semaphore, #tpu.memory_space<semaphore_mem>>
      %dma_start3A_229 = arith.constant 0 : i32
      %dma_start3A_230 = tpu.memref_slice %arg8[%mul3A_2, %dma_start3A_229] : memref<16384x16xf32, #tpu.memory_space<hbm>> -> memref<512x16xf32, #tpu.memory_space<hbm>>
      %dma_start3A_231 = arith.constant 0 : i32
      %dma_start3A_232 = tpu.memref_slice %arg8[%mul3A_2, %dma_start3A_231] : memref<16384x16xf32, #tpu.memory_space<hbm>> -> memref<512x16xf32, #tpu.memory_space<hbm>>
      tpu.enqueue_dma source(%arg15 : memref<512x16xf32, #tpu.memory_space<vmem>>) target(%dma_start3A_232 : memref<512x16xf32, #tpu.memory_space<hbm>>) target_semaphore(%run_scoped3A : memref<!tpu.dma_semaphore, #tpu.memory_space<semaphore_mem>>)
      %dma_wait3A_233 = arith.constant 0 : i32
      %dma_wait3A_234 = tpu.memref_slice %arg8[%mul3A_2, %dma_wait3A_233] : memref<16384x16xf32, #tpu.memory_space<hbm>> -> memref<512x16xf32, #tpu.memory_space<hbm>>
      %dma_wait3A_235 = arith.constant 0 : i32
      %dma_wait3A_236 = tpu.memref_slice %arg8[%mul3A_2, %dma_wait3A_235] : memref<16384x16xf32, #tpu.memory_space<hbm>> -> memref<512x16xf32, #tpu.memory_space<hbm>>
      tpu.wait_dma2 semaphore(%run_scoped3A : memref<!tpu.dma_semaphore, #tpu.memory_space<semaphore_mem>>) src(%arg15 : memref<512x16xf32, #tpu.memory_space<vmem>>) dst(%dma_wait3A_236 : memref<512x16xf32, #tpu.memory_space<hbm>>)
      tpu.yield
    }) : () -> ()
    return
  }
}

module attributes {stable_mosaic.version = 14 : i64} {
  func.func @tc_body(%arg0: memref<2048x128xf32, #tpu.memory_space<vmem>>, %arg1: memref<1x1xf32, #tpu.memory_space<smem>>, %arg2: memref<2048x8xf32, #tpu.memory_space<vmem>>) attributes {dimension_semantics = [], scalar_prefetch = 0 : i64, scratch_operands = 0 : i64, tpu.core_type = #tpu.core_type<tc>} {
    %iota3A = tpu.iota {dimensions = array<i32: 0>} : vector<128x8xi32>
    %iota3A_0 = tpu.iota {dimensions = array<i32: 1>} : vector<128x8xi32>
    %jit3A = arith.constant 16 : i32
    %div3A = vector.broadcast %jit3A : i32 to vector<128x8xi32>
    %div3A_1 = arith.divsi %iota3A, %div3A : vector<128x8xi32>
    %sign3A = arith.constant 0 : i32
    %sign3A_2 = vector.broadcast %sign3A : i32 to vector<128x8xi32>
    %sign3A_3 = arith.cmpi sgt, %iota3A, %sign3A_2 : vector<128x8xi32>
    %sign3A_4 = arith.extui %sign3A_3 : vector<128x8xi1> to vector<128x8xi32>
    %sign3A_5 = arith.constant 0 : i32
    %sign3A_6 = vector.broadcast %sign3A_5 : i32 to vector<128x8xi32>
    %sign3A_7 = arith.cmpi slt, %iota3A, %sign3A_6 : vector<128x8xi32>
    %sign3A_8 = arith.extui %sign3A_7 : vector<128x8xi1> to vector<128x8xi32>
    %sign3A_9 = arith.subi %sign3A_4, %sign3A_8 : vector<128x8xi32>
    %sign3A_10 = arith.constant 0 : i32
    %sign3A_11 = arith.cmpi sgt, %jit3A, %sign3A_10 : i32
    %sign3A_12 = arith.extui %sign3A_11 : i1 to i32
    %sign3A_13 = arith.constant 0 : i32
    %sign3A_14 = arith.cmpi slt, %jit3A, %sign3A_13 : i32
    %sign3A_15 = arith.extui %sign3A_14 : i1 to i32
    %sign3A_16 = arith.subi %sign3A_12, %sign3A_15 : i32
    %ne3A = vector.broadcast %sign3A_16 : i32 to vector<128x8xi32>
    %ne3A_17 = arith.cmpi ne, %sign3A_9, %ne3A : vector<128x8xi32>
    %rem3A = vector.broadcast %jit3A : i32 to vector<128x8xi32>
    %rem3A_18 = arith.remsi %iota3A, %rem3A : vector<128x8xi32>
    %ne3A_19 = arith.constant 0 : i32
    %ne3A_20 = vector.broadcast %ne3A_19 : i32 to vector<128x8xi32>
    %ne3A_21 = arith.cmpi ne, %rem3A_18, %ne3A_20 : vector<128x8xi32>
    %and3A = arith.andi %ne3A_17, %ne3A_21 : vector<128x8xi1>
    %sub3A = arith.constant 1 : i32
    %sub3A_22 = vector.broadcast %sub3A : i32 to vector<128x8xi32>
    %sub3A_23 = arith.subi %div3A_1, %sub3A_22 : vector<128x8xi32>
    %select_n3A = arith.select %and3A, %sub3A_23, %div3A_1 : vector<128x8xi1>, vector<128x8xi32>
    %eq3A = arith.cmpi eq, %select_n3A, %iota3A_0 : vector<128x8xi32>
    %jit3A_24 = arith.constant 1.000000e+00 : f32
    %jit3A_25 = arith.constant 0.000000e+00 : f32
    %broadcast_in_dim3A = vector.broadcast %jit3A_24 : f32 to vector<128x8xf32>
    %broadcast_in_dim3A_26 = vector.broadcast %jit3A_25 : f32 to vector<128x8xf32>
    %select_n3A_27 = arith.select %eq3A, %broadcast_in_dim3A, %broadcast_in_dim3A_26 : vector<128x8xi1>, vector<128x8xf32>
    %get3A = arith.constant 0 : index
    %get3A_28 = arith.constant 0 : index
    %get3A_29 = vector.load %arg0[%get3A, %get3A_28] : memref<2048x128xf32, #tpu.memory_space<vmem>>, vector<2048x128xf32>
    %dot_general3A = arith.constant dense<0.000000e+00> : vector<2048x8xf32>
    %dot_general3A_30 = tpu.matmul %get3A_29, %select_n3A_27, %dot_general3A {dimension_numbers = #tpu.dot_dimension_numbers<[1], [0], [0], [1], [0, 0, 1, 1], [], []>, transpose_lhs_hint = false} : vector<2048x128xf32>, vector<128x8xf32>, vector<2048x8xf32> -> vector<2048x8xf32>
    %get3A_31 = arith.constant 0 : index
    %get3A_32 = arith.constant 0 : index
    %get3A_33 = memref.load %arg1[%get3A_31, %get3A_32] : memref<1x1xf32, #tpu.memory_space<smem>>
    %add3A = vector.broadcast %get3A_33 : f32 to vector<2048x8xf32>
    %add3A_34 = arith.addf %dot_general3A_30, %add3A : vector<2048x8xf32>
    %swap3A = arith.constant 0 : index
    %swap3A_35 = arith.constant 0 : index
    %swap3A_36 = vector.load %arg2[%swap3A, %swap3A_35] : memref<2048x8xf32, #tpu.memory_space<vmem>>, vector<2048x8xf32>
    tpu.vector_store %arg2[%swap3A, %swap3A_35], %add3A_34 {strides = array<i32>} : memref<2048x8xf32, #tpu.memory_space<vmem>>, vector<2048x8xf32>,
    return
  }
}

</mosaic_0001>

<sc_bundles>
// kernel: _mf.4.cloned.1.call-start
scs
__scs_entry_jumppad:
0x0: {  	(pc) =	sbr.rel $0x88, $3  }
0x1: {  	(tag) =	ssettag $0x0;
	lr =	simm.s32 $0x1  }
0x2: {  	[smem:$0x3F9A] =	sst lr;
	_ =	strace $0xD0000000  }
0x3: {  	_ = 	snop  }
0x4: {  	_ = 	snop  }
0x5: {  	_ = 	snop  }
0x6: {  	_ = 	snop  }
0x7: {  	_ = 	snop  }
__scs_overlays_trampoline_lowered:
0x8: {  	[smem:$0x3FA9] =	sst s0  }
0x9: {  	[smem:$0x3FAA] =	sst s1  }
0xa: {  	[smem:$0x3FAB] =	sst s2  }
0xb: {  	[smem:$0x3FAC] =	sst s3  }
0xc: {  	[smem:$0x3FAD] =	sst s4  }
0xd: {  	[smem:$0x3FAE] =	sst s5  }
0xe: {  	[smem:$0x3FAF] =	sst s6  }
0xf: {  	[smem:$0x3FB0] =	sst s7  }
0x10: {  	[smem:$0x3FB1] =	sst s8  }
0x11: {  	[smem:$0x3FB2] =	sst s9;
	s0 =	simm.s32 @!p0 $0x0  }
0x12: {  	s1 =	sld [smem:$0x3F98];
	s0 =	simm.s32 @p0 $0x1  }
0x13: {  	[smem:$0x3FB3] =	sst s0;
	s0 =	simm.s32 @!p1 $0x0  }
0x14: {  	s2 =	sld [smem:$0x3F97];
	s0 =	simm.s32 @p1 $0x1  }
0x15: {  	[smem:$0x3FB4] =	sst s0;
	s0 =	simm.s32 @!p2 $0x0  }
0x16: {  	s3 =	sld [smem:$0x3FDB];
	s0 =	simm.s32 @p2 $0x1  }
0x17: {  	s4 =	simm.s32 $0x1BF5;
	[smem:$0x3FB6] =	sst s0  }
0x18: {  	s0 =	sld [smem:$0x3F99];
	_ =	swait.ge [sflag:s4], $0x0  }
0x19: {  	s7 =	sld [smem:$0x3F9A]  }
0x1a: {  	s8 =	sadd.s32 $0xFFFFE003, lr  }
0x1b: {  	s9 =	sadd.s32 $0xFFFFFEF7, lr;
	s5 =	simm.s32 $0xFFFFFFFF;
	p2 =	slt.u32 s8, $0xFFFFF086  }
0x1c: {  	p1 =	slt.u32 s9, $0xF7A;
	s5 =	simm.s32 @!p2 $0x0  }
0x1d: {  	s5 =	simm.s32 @p1 $0x1;
	p0 =	seq.s32 s7, s2  }
0x1e: {  	s7 =	smul.u32 @!p0 $0xF7A, s2;
	p2 =	seq.s32 @!p0 s5, $0x0  }
0x1f: {  	s9 =	smul.u32 $0xF7A, s1;
	s8 =	simm.s32 @!p0 $0x1BF5;
	p2 =	por !p2, p0  }
0x20: {  	[sflag:s8] =	ssyncset.s32 @!p0 $0xFFFFF086;
	s6 =	sadd.s32 @!p0 s3, s7;
	s7 =	simm.s32 @!p0 $0x108  }
0x21: {  	s3 =	sadd.s32 s3, s9;
	s6 =	sadd.s32 @!p0 $0x88, s6;
	s7 =	simm.s32 @p2 $0x1082  }
0x22: {  	[simem:s7], [sflag:s8] =	dma.local @!p0 [hbm:s6], $0xF7A  }
0x23: {  	s9 =	sor.u32 $0xD0000000, s2;
	s6 =	simm.s32 $0x108;
	_ =	swait.ge @!p0 [sflag:s8], $0x0  }
0x24: {  	s3 =	sadd.s32 $0x88, s3;
	s6 =	simm.s32 @!p1 $0x1082;
	[sflag:s4] =	ssyncset.s32 $0xFFFFF086  }
0x25: {  	[simem:s6], [sflag:s4] =	dma.local [hbm:s3], $0xF7A  }
0x26: {  	[smem:$0x3F9A] =	sst s1;
	(tag) =	ssettag s2;
	_ =	strace s9  }
0x27: {  	s1 =	sld [smem:$0x3FAA]  }
0x28: {  	s2 =	sld [smem:$0x3FAB]  }
0x29: {  	s4 =	sld [smem:$0x3FAD]  }
0x2a: {  	p0 =	seq.s32 s5, $0x0;
	s5 =	sld [smem:$0x3FAE]  }
0x2b: {  	s6 =	sld [smem:$0x3FAF]  }
0x2c: {  	s7 =	sld [smem:$0x3FB0]  }
0x2d: {  	s3 =	simm.s32 $0x108;
	s8 =	sld [smem:$0x3FB1]  }
0x2e: {  	s3 =	simm.s32 @!p0 $0x1082;
	s9 =	sld [smem:$0x3FB2]  }
0x2f: {  	lr =	sadd.s32 s0, s3;
	s0 =	sld [smem:$0x3FA9]  }
0x30: {  	s3 =	sld [smem:$0x3FAC]  }
0x31: {  	[smem:$0x3FB5] =	sst s10  }
0x32: {  	s10 =	sld [smem:$0x3FB3];
	_ =	sdelay $0x3  }
0x33: {  	p0 =	seq.s32 s10, $0x1;
	s10 =	sld [smem:$0x3FB5];
	_ =	sdelay $0x3  }
0x34: {  	[smem:$0x3FB5] =	sst s10  }
0x35: {  	s10 =	sld [smem:$0x3FB4];
	_ =	sdelay $0x3  }
0x36: {  	p1 =	seq.s32 s10, $0x1;
	s10 =	sld [smem:$0x3FB5];
	_ =	sdelay $0x3  }
0x37: {  	[smem:$0x3FB5] =	sst s10  }
0x38: {  	s10 =	sld [smem:$0x3FB6]  }
0x39: {  	_ = 	snop;
	(pc) =	sbr.ind lr, $3  }
0x3a: {  	_ = 	snop  }
0x3b: {  	_ = 	snop  }
0x3c: {  	p2 =	seq.s32 s10, $0x1;
	s10 =	sld [smem:$0x3FB5]  }
0x3d: {  	_ =	shalt  }
0x3e: {  	_ =	shalt  }
0x3f: {  	_ =	shalt  }
0x40: {  	_ =	shalt  }
0x41: {  	_ =	shalt  }
0x42: {  	_ =	shalt  }
0x43: {  	_ =	shalt  }
0x44: {  	_ =	shalt  }
0x45: {  	_ =	shalt  }
0x46: {  	_ =	shalt  }
0x47: {  	_ =	shalt  }
0x48: {  	_ =	shalt  }
0x49: {  	_ =	shalt  }
0x4a: {  	_ =	shalt  }
0x4b: {  	_ =	shalt  }
0x4c: {  	_ =	shalt  }
0x4d: {  	_ =	shalt  }
0x4e: {  	_ =	shalt  }
0x4f: {  	_ =	shalt  }
0x50: {  	_ =	shalt  }
0x51: {  	_ =	shalt  }
0x52: {  	_ =	shalt  }
0x53: {  	_ =	shalt  }
0x54: {  	_ =	shalt  }
0x55: {  	_ =	shalt  }
0x56: {  	_ =	shalt  }
0x57: {  	_ =	shalt  }
0x58: {  	_ =	shalt  }
0x59: {  	_ =	shalt  }
0x5a: {  	_ =	shalt  }
0x5b: {  	_ =	shalt  }
0x5c: {  	_ =	shalt  }
0x5d: {  	_ =	shalt  }
0x5e: {  	_ =	shalt  }
0x5f: {  	_ =	shalt  }
0x60: {  	_ =	shalt  }
0x61: {  	_ =	shalt  }
0x62: {  	_ =	shalt  }
0x63: {  	_ =	shalt  }
0x64: {  	_ =	shalt  }
0x65: {  	_ =	shalt  }
0x66: {  	_ =	shalt  }
0x67: {  	_ =	shalt  }
0x68: {  	_ =	shalt  }
0x69: {  	_ =	shalt  }
0x6a: {  	_ =	shalt  }
0x6b: {  	_ =	shalt  }
0x6c: {  	_ =	shalt  }
0x6d: {  	_ =	shalt  }
0x6e: {  	_ =	shalt  }
0x6f: {  	_ =	shalt  }
0x70: {  	_ =	shalt  }
0x71: {  	_ =	shalt  }
0x72: {  	_ =	shalt  }
0x73: {  	_ =	shalt  }
0x74: {  	_ =	shalt  }
0x75: {  	_ =	shalt  }
0x76: {  	_ =	shalt  }
0x77: {  	_ =	shalt  }
0x78: {  	_ =	shalt  }
0x79: {  	_ =	shalt  }
0x7a: {  	_ =	shalt  }
0x7b: {  	_ =	shalt  }
0x7c: {  	_ =	shalt  }
0x7d: {  	_ =	shalt  }
0x7e: {  	_ =	shalt  }
0x7f: {  	_ =	shalt  }
0x80: {  	_ =	shalt  }
0x81: {  	_ =	shalt  }
0x82: {  	_ =	shalt  }
0x83: {  	_ =	shalt  }
0x84: {  	_ =	shalt  }
0x85: {  	_ =	shalt  }
0x86: {  	_ =	shalt  }
0x87: {  	_ =	shalt  }
.Lfunc_end0:
.L_simem_size_0:
called_computation_lowered:
.L_overlay_start_0:
0x88: {  	s2 =	sld [smem:$0x3FD9]  }
0x89: {  	s3 =	sld [smem:$0x3FFE];
	_ =	sdelay $0x1  }
0x8a: {  	s1 =	srdreg.scid  }
0x8b: {  	s0 =	sand.u32 $0x1, s1  }
0x8c: {  	s17 =	sshll.u32 s0, $0xA;
	s2 =	sadd.s32 s3, s2  }
0x8d: {  	s2 =	sadd.s32 s2, s17  }
0x8e: {  	[smem:$0x3FC1] =	sst s2  }
0x8f: {  	_ = 	snop  }
0x90: {  	s2 =	sld [smem:$0x3FC9]  }
0x91: {  	s18 =	sld [smem:$0x3FC8]  }
0x92: {  	s4 =	sld [smem:$0x3FC5]  }
0x93: {  	s5 =	sld [smem:$0x3FC4];
	(tm) =	ssettm $0x1  }
0x94: {  	s6 =	sld [smem:$0x3FFB];
	_ =	sdelay $0x3  }
0x95: {  	_ =	strace s6  }
0x96: {  	s6 =	sld [smem:$0x3FFC];
	_ =	sdelay $0x3  }
0x97: {  	_ =	strace s6  }
0x98: {  	s6 =	sld [smem:$0x3FFD];
	_ =	sdelay $0x3  }
0x99: {  	_ =	strace s6  }
0x9a: {  	_ =	strace $0x8FFFFFFF  }
0x9b: {  	s19 =	sld [smem:$0x3FDB];
	_ =	sdelay $0x1  }
0x9c: {  	s7 =	simm.s32 $_scs_section_size  }
0x9d: {  	s8 =	simm.s32 $_size__tile_overlayer_lowered;
	s9 =	simm.s32 $_tile_overlayer_lowered  }
0x9e: {  	s22 =	simm.s32 $0x1BFF;
	s21 =	sshll.u32 s9, $0x1;
	s6 =	sadd.s32 s7, s19  }
0x9f: {  	s10 =	simm.s32 $0x0;
	s20 =	sshll.u32 s8, $0x1;
	s8 =	sadd.s32 s21, s6  }
0xa0: {  	[timem:s10], [sflag:s22] =	dma.local [hbm:s8], s20  }
0xa1: {  	_ =	swait.ge [sflag:s22], s20  }
0xa2: {  	s7 =	ssub.s32 $0x0, s20;
	[sflag:s22] =	ssyncset.done $0x0  }
0xa3: {  	[sflag:s22] =	ssyncadd.s32 s7;
	_ =	sdelay $0x1  }
0xa4: {  	s23 =	simm.s32 $0x1B8B  }
0xa5: {  	_ =	swait.ge [sflag:s23], $0x1  }
0xa6: {  	[sflag:s23] =	ssyncset.done $0x0  }
0xa7: {  	s25 =	simm.s32 $0x1B8E;
	s24 =	sld [smem:$0x3FFE];
	[sflag:s23] =	ssyncadd.s32 $0xFFFFFFFF  }
0xa8: {  	s26 =	simm.s32 $execute0_lowered;
	[smem:$0x3FD2] =	sst s25  }
0xa9: {  	s8 =	sshll.u32 s26, $0x1;
	_ =	strace $0x80000046;
	[dreg:$0x1] =	wrdreg $0xFFFFFFFF  }
0xaa: {  	s28 =	simm.s32 $_size_execute0_lowered;
	s6 =	sadd.s32 s6, s8;
	[dreg:$0x0] =	wrdreg $0x0  }
0xab: {  	s8 =	sshll.u32 s28, $0x1;
	[dreg:$0x2] =	wrdreg s6  }
0xac: {  	[dreg:$0x3] =	wrdreg s8  }
0xad: {  	[dreg:$0x4] =	wrdreg $0xC0  }
0xae: {  	_ =	task [dreg:s10], $0x5FFFF  }
0xaf: {  	[dreg:$0x1] =	wrdreg $0xFFFFFFFF  }
0xb0: {  	[dreg:$0x0] =	wrdreg $0x60  }
0xb1: {  	[dreg:$0x2] =	wrdreg s2  }
0xb2: {  	[dreg:$0x3] =	wrdreg s18  }
0xb3: {  	[dreg:$0x4] =	wrdreg s24  }
0xb4: {  	[dreg:$0x5] =	wrdreg s4  }
0xb5: {  	[dreg:$0x6] =	wrdreg s5  }
0xb6: {  	[dreg:$0x7] =	wrdreg $0x9  }
0xb7: {  	_ =	task.clear_ibuf [dreg:s10], $0x8FFFF;
	_ =	strace $0x90000046  }
0xb8: {  	s29 =	simm.s32 $0x9;
	_ =	strace $0x80000048  }
0xb9: {  	_ =	swait.ge [sflag:s29], $0x1  }
0xba: {  	[sflag:s29] =	ssyncadd.s32 $0xFFFFFFFF  }
0xbb: {  	_ =	strace $0x90000048  }
0xbc: {  	_ =	sfence  }
0xbd: {  	s30 =	sld [smem:$0x0];
	_ =	sdelay $0x2  }
0xbe: {  	s31 =	sshll.u32 s1, $0xD;
	s1 =	sshrl.u32 s1, $0x2  }
0xbf: {  	s3 =	sand.u32 $0x4000, s31;
	s1 =	sadd.s32 s1, s30  }
0xc0: {  	s0 =	sor.u32 s3, s0;
	s1 =	sshll.u32 s1, $0x11  }
0xc1: {  	s0 =	sor.u32 s1, s0  }
0xc2: {  	s0 =	sadd.s32 $0x8F2B, s0  }
0xc3: {  	[sflag:s0] =	ssyncadd.remote.s32 $0x1  }
0xc4: {  	_ =	sfence.sel $0xFFFF  }
0xc5: {  	[dreg:$0x0] =	wrdreg $0xFFFFFFFF;
	(pc) =	sbr.abs _section_cstart, $3  }
0xc6: {  	[dreg:$0x1] =	wrdreg $0xFFFFFFFF  }
0xc7: {  	_ =	task.clear_ibuf [dreg:s10], $0x2FFFF;
	_ =	strace $0x9FFFFFFF  }
0xc8: {  	(tm) =	ssettm $0x7FFFFFFF  }
0xc9: {  	_ =	shalt  }
tec
execute0_lowered:
.L_overlay_start_1:
0x0: {  	(tag) =	ssettag $0x1  }
0x1: {  	s0 =	rddreg [dreg:$0x0]  }
0x2: {  	s3 =	rddreg [dreg:$0x1]  }
0x3: {  	s7 =	rddreg [dreg:$0x2]  }
0x4: {  	s1 =	rddreg [dreg:$0x3]  }
0x5: {  	s2 =	rddreg [dreg:$0x4];
	s4 =	simm.s32 $0x0;
	s5 =	srdreg.scid  }
0x6: {  	s6 =	stileid.u32;
	s12 =	simm.s32 $0x200;
	s13 =	simm.s32 $0x80  }
0x7: {  	s19 =	simm.s32 $0x280;
	s23 =	simm.s32 $0x100;
	s25 =	simm.s32 $0x300  }
0x8: {  	s28 =	simm.s32 $0x10500;
	s29 =	simm.s32 $0x10700;
	s30 =	simm.s32 $0x180  }
0x9: {  	s31 =	simm.s32 $0x6400;
	s14 =	simm.s32 $0x10580;
	s15 =	simm.s32 $0x10780  }
0xa: {  	s16 =	simm.s32 $0x1;
	s17 =	simm.s32 $0x10800;
	s18 =	simm.s32 $0x0  }
0xb: {  	[smem:$0x7FF] =	sst s4;
	s8 =	sand.u32 $0x1, s5;
	s5 =	sadd.s32 $0x16E3C00, s7  }
0xc: {  	s9 =	sshll.u32 s6, $0xA;
	s6 =	sadd.s32 $0xF42A00, s7;
	s10 =	sshll.u32 s8, $0x9  }
0xd: {  	_ =	strace $0x80000047;
	s8 =	ssub.s32 $0x2, s8;
	s9 =	sor.u32 s10, s9  }
0xe: {  	s11 =	sshrl.u32 s8, $0x1;
	s10 =	sshll.u32 s9, $0x1;
	s9 =	sshrl.u32 s9, $0x3  }
0xf: {  	s11 =	ssub.s32 s8, s11;
	s10 =	sadd.s32 s10, s7;
	s7 =	sadd.s32 s0, s9  }
0x10: {  	s8 =	sadd.s32 s3, s9;
	s0 =	simm.s32 $0x380;
	s3 =	simm.s32 $0xE400  }
0x11: {  	s9 =	sadd.s32 $0x600, s10;
	s10 =	smax.u32 s11, $0x1;
	s11 =	simm.s32 $0x2  }
.LBB2_1:
0x12: {  	[tilespmem:s4], [sflag:$0x2] =	stream.linear.gather [hbm4b:s7+s4], $0x200, $0x38;
	[tilespmem:$0x12800] =	vst v63  }
0x13: {  	_ =	swait.ge [sflag:s11], $0x200  }
0x14: {  	[sflag:s11] =	ssyncset.done $0x0  }
0x15: {  	[sflag:s11] =	ssyncadd.s32 $0xFFFFFE00  }
0x16: {  	[tilespmem:s12], [sflag:$0x2] =	stream.linear.gather [hbm4b:s8+s4], $0x200, $0x38;
	[tilespmem:$0x12800] =	vst v63  }
0x17: {  	_ =	swait.ge [sflag:s11], $0x200  }
0x18: {  	[sflag:s11] =	ssyncset.done $0x0  }
0x19: {  	s20 =	simm.s32 $0x400;
	[sflag:s11] =	ssyncadd.s32 $0xFFFFFE00  }
0x1a: {  	[tilespmem:s20], [sflag:$0x1] =	stream.indirect.gather [hbm4b:s5+s13], $0x40, s4, s13, $0xb8;
	[tilespmem:$0x12800] =	vst v63  }
0x1b: {  	s26 =	simm.s32 $0x8400  }
0x1c: {  	[tilespmem:s26], [sflag:$0x1] =	stream.indirect.gather [hbm4b:s6+s13], $0x40, s12, s13, $0xb8;
	[tilespmem:$0x12800] =	vst v63  }
0x1d: {  	s21 =	simm.s32 $0x10400  }
0x1e: {  	[tilespmem:s21], [sflag:$0x1] =	stream.indirect.gather [hbm4b:s1+s13], $0x1, s4, s13, $0xb8;
	[tilespmem:$0x12800] =	vst v63  }
0x1f: {  	s22 =	simm.s32 $0x10600  }
0x20: {  	[tilespmem:s22], [sflag:$0x1] =	stream.indirect.gather [hbm4b:s2+s13], $0x1, s12, s13, $0xb8;
	[tilespmem:$0x12800] =	vst v63  }
0x21: {  	s24 =	simm.s32 $0x2400  }
0x22: {  	[tilespmem:s24], [sflag:$0x1] =	stream.indirect.gather [hbm4b:s5+s13], $0x40, s13, s13, $0xb8;
	[tilespmem:$0x12800] =	vst v63  }
0x23: {  	s26 =	simm.s32 $0xA400  }
0x24: {  	[tilespmem:s26], [sflag:$0x1] =	stream.indirect.gather [hbm4b:s6+s13], $0x40, s19, s13, $0xb8;
	[tilespmem:$0x12800] =	vst v63  }
0x25: {  	s21 =	simm.s32 $0x10480  }
0x26: {  	[tilespmem:s21], [sflag:$0x1] =	stream.indirect.gather [hbm4b:s1+s13], $0x1, s13, s13, $0xb8;
	[tilespmem:$0x12800] =	vst v63  }
0x27: {  	s22 =	simm.s32 $0x10680  }
0x28: {  	[tilespmem:s22], [sflag:$0x1] =	stream.indirect.gather [hbm4b:s2+s13], $0x1, s19, s13, $0xb8;
	[tilespmem:$0x12800] =	vst v63  }
0x29: {  	s24 =	simm.s32 $0x4400  }
0x2a: {  	[tilespmem:s24], [sflag:$0x1] =	stream.indirect.gather [hbm4b:s5+s13], $0x40, s23, s13, $0xb8;
	[tilespmem:$0x12800] =	vst v63  }
0x2b: {  	s26 =	simm.s32 $0xC400  }
0x2c: {  	[tilespmem:s26], [sflag:$0x1] =	stream.indirect.gather [hbm4b:s6+s13], $0x40, s25, s13, $0xb8;
	[tilespmem:$0x12800] =	vst v63  }
0x2d: {  	_ = 	snop  }
0x2e: {  	[tilespmem:s28], [sflag:$0x1] =	stream.indirect.gather [hbm4b:s1+s13], $0x1, s23, s13, $0xb8;
	[tilespmem:$0x12800] =	vst v63  }
0x2f: {  	_ = 	snop  }
0x30: {  	[tilespmem:s29], [sflag:$0x1] =	stream.indirect.gather [hbm4b:s2+s13], $0x1, s25, s13, $0xb8;
	[tilespmem:$0x12800] =	vst v63  }
0x31: {  	_ = 	snop  }
0x32: {  	[tilespmem:s31], [sflag:$0x1] =	stream.indirect.gather [hbm4b:s5+s13], $0x40, s30, s13, $0xb8;
	[tilespmem:$0x12800] =	vst v63  }
0x33: {  	_ = 	snop  }
0x34: {  	[tilespmem:s3], [sflag:$0x1] =	stream.indirect.gather [hbm4b:s6+s13], $0x40, s0, s13, $0xb8;
	[tilespmem:$0x12800] =	vst v63  }
0x35: {  	_ = 	snop  }
0x36: {  	[tilespmem:s14], [sflag:$0x1] =	stream.indirect.gather [hbm4b:s1+s13], $0x1, s30, s13, $0xb8;
	[tilespmem:$0x12800] =	vst v63  }
0x37: {  	_ = 	snop  }
0x38: {  	[tilespmem:s15], [sflag:$0x1] =	stream.indirect.gather [hbm4b:s2+s13], $0x1, s0, s13, $0xb8;
	[tilespmem:$0x12800] =	vst v63  }
0x39: {  	_ =	swait.ge [sflag:s16], $0x2000  }
0x3a: {  	[sflag:s16] =	ssyncset.done $0x0  }
0x3b: {  	[sflag:s16] =	ssyncadd.s32 $0xFFFFE000  }
0x3c: {  	_ =	swait.ge [sflag:s16], $0x2000  }
0x3d: {  	[sflag:s16] =	ssyncset.done $0x0  }
0x3e: {  	[sflag:s16] =	ssyncadd.s32 $0xFFFFE000  }
0x3f: {  	_ =	swait.ge [sflag:s16], $0x80  }
0x40: {  	[sflag:s16] =	ssyncset.done $0x0  }
0x41: {  	[sflag:s16] =	ssyncadd.s32 $0xFFFFFF80  }
0x42: {  	_ =	swait.ge [sflag:s16], $0x80  }
0x43: {  	[sflag:s16] =	ssyncset.done $0x0  }
0x44: {  	[sflag:s16] =	ssyncadd.s32 $0xFFFFFF80  }
0x45: {  	_ =	swait.ge [sflag:s16], $0x2000  }
0x46: {  	[sflag:s16] =	ssyncset.done $0x0  }
0x47: {  	[sflag:s16] =	ssyncadd.s32 $0xFFFFE000  }
0x48: {  	_ =	swait.ge [sflag:s16], $0x2000  }
0x49: {  	[sflag:s16] =	ssyncset.done $0x0  }
0x4a: {  	[sflag:s16] =	ssyncadd.s32 $0xFFFFE000  }
0x4b: {  	_ =	swait.ge [sflag:s16], $0x80  }
0x4c: {  	[sflag:s16] =	ssyncset.done $0x0  }
0x4d: {  	[sflag:s16] =	ssyncadd.s32 $0xFFFFFF80  }
0x4e: {  	_ =	swait.ge [sflag:s16], $0x80  }
0x4f: {  	[sflag:s16] =	ssyncset.done $0x0  }
0x50: {  	[sflag:s16] =	ssyncadd.s32 $0xFFFFFF80  }
0x51: {  	_ =	swait.ge [sflag:s16], $0x2000  }
0x52: {  	[sflag:s16] =	ssyncset.done $0x0  }
0x53: {  	[sflag:s16] =	ssyncadd.s32 $0xFFFFE000  }
0x54: {  	_ =	swait.ge [sflag:s16], $0x2000  }
0x55: {  	[sflag:s16] =	ssyncset.done $0x0  }
0x56: {  	[sflag:s16] =	ssyncadd.s32 $0xFFFFE000  }
0x57: {  	_ =	swait.ge [sflag:s16], $0x80  }
0x58: {  	[sflag:s16] =	ssyncset.done $0x0  }
0x59: {  	[sflag:s16] =	ssyncadd.s32 $0xFFFFFF80  }
0x5a: {  	_ =	swait.ge [sflag:s16], $0x80  }
0x5b: {  	[sflag:s16] =	ssyncset.done $0x0  }
0x5c: {  	[sflag:s16] =	ssyncadd.s32 $0xFFFFFF80  }
0x5d: {  	_ =	swait.ge [sflag:s16], $0x2000  }
0x5e: {  	[sflag:s16] =	ssyncset.done $0x0  }
0x5f: {  	[sflag:s16] =	ssyncadd.s32 $0xFFFFE000  }
0x60: {  	_ =	swait.ge [sflag:s16], $0x2000  }
0x61: {  	[sflag:s16] =	ssyncset.done $0x0  }
0x62: {  	[sflag:s16] =	ssyncadd.s32 $0xFFFFE000  }
0x63: {  	_ =	swait.ge [sflag:s16], $0x80  }
0x64: {  	[sflag:s16] =	ssyncset.done $0x0  }
0x65: {  	[sflag:s16] =	ssyncadd.s32 $0xFFFFFF80  }
0x66: {  	_ =	swait.ge [sflag:s16], $0x80  }
0x67: {  	s20 =	simm.s32 $0x10880;
	s21 =	simm.s32 $0x8600;
	[sflag:s16] =	ssyncset.done $0x0  }
0x68: {  	s22 =	simm.s32 $0x600;
	s24 =	simm.s32 $0x0;
	[sflag:s16] =	ssyncadd.s32 $0xFFFFFF80  }
.LBB2_2:
0x69: {  	s26 =	sshra.s32 s24, $0x2;
	v2 =	vld [tilespmem:s22+$0xFFFFFE00]  }
0x6a: {  	v0 =	vld [tilespmem:s26+$0x10400]  }
0x6b: {  	v1 =	vld [tilespmem:s26+$0x10600]  }
0x6c: {  	v3 =	vld [tilespmem:s21+$0xFFFFFE00]  }
0x6d: {  	v4 =	vld [tilespmem:s22+$0xFFFFFE10]  }
0x6e: {  	v5 =	vld [tilespmem:s21+$0xFFFFFE10]  }
0x6f: {  	v8 =	vld [tilespmem:s22+$0xFFFFFE20]  }
0x70: {  	v9 =	vld [tilespmem:s21+$0xFFFFFE20];
	v6 =	vbroadcast v0, $0x0;
	v7 =	vbroadcast v1, $0x0  }
0x71: {  	v10 =	vld [tilespmem:s22+$0xFFFFFE30]  }
0x72: {  	v11 =	vld [tilespmem:s21+$0xFFFFFE30];
	v2 =	vadd.f32 v2, v6;
	v3 =	vadd.f32 v3, v7  }
0x73: {  	v4 =	vadd.f32 v4, v6;
	v5 =	vadd.f32 v5, v7  }
0x74: {  	v35 =	vadd.f32 v8, v6  }
0x75: {  	v36 =	vadd.f32 v9, v7;
	v2 =	vmul.f32 v3, v2;
	v34 =	vmul.f32 v5, v4  }
0x76: {  	v38 =	vadd.f32 v10, v6  }
0x77: {  	v39 =	vadd.f32 v11, v7;
	v37 =	vmul.f32 v36, v35;
	v2 =	vadd.f32 v34, v2;
	_ =	sdelay $0x1  }
0x78: {  	v40 =	vmul.f32 v39, v38;
	v2 =	vadd.f32 v37, v2;
	_ =	sdelay $0x1  }
0x79: {  	v2 =	vadd.f32 v40, v2;
	_ =	sdelay $0x1  }
0x7a: {  	[tilespmem:s20+$0xFFFFFF80] =	vst v2  }
0x7b: {  	v2 =	vld [tilespmem:s22+$0xFFFFFE40]  }
0x7c: {  	v41 =	vld [tilespmem:s21+$0xFFFFFE40]  }
0x7d: {  	v42 =	vld [tilespmem:s22+$0xFFFFFE50]  }
0x7e: {  	v43 =	vld [tilespmem:s21+$0xFFFFFE50]  }
0x7f: {  	v46 =	vld [tilespmem:s22+$0xFFFFFE60]  }
0x80: {  	v44 =	vbroadcast v0, $0x1;
	v45 =	vbroadcast v1, $0x1;
	v47 =	vld [tilespmem:s21+$0xFFFFFE60]  }
0x81: {  	v48 =	vld [tilespmem:s22+$0xFFFFFE70]  }
0x82: {  	v49 =	vld [tilespmem:s21+$0xFFFFFE70];
	v2 =	vadd.f32 v2, v44;
	v3 =	vadd.f32 v41, v45  }
0x83: {  	v4 =	vadd.f32 v42, v44;
	v5 =	vadd.f32 v43, v45  }
0x84: {  	v51 =	vadd.f32 v46, v44  }
0x85: {  	v52 =	vadd.f32 v47, v45;
	v2 =	vmul.f32 v3, v2;
	v50 =	vmul.f32 v5, v4  }
0x86: {  	v54 =	vadd.f32 v48, v44  }
0x87: {  	v55 =	vadd.f32 v49, v45;
	v53 =	vmul.f32 v52, v51;
	v2 =	vadd.f32 v50, v2;
	_ =	sdelay $0x1  }
0x88: {  	v56 =	vmul.f32 v55, v54;
	v2 =	vadd.f32 v53, v2;
	_ =	sdelay $0x1  }
0x89: {  	v2 =	vadd.f32 v56, v2;
	_ =	sdelay $0x1  }
0x8a: {  	[tilespmem:s20+$0xFFFFFF90] =	vst v2  }
0x8b: {  	v2 =	vld [tilespmem:s22+$0xFFFFFE80]  }
0x8c: {  	v57 =	vld [tilespmem:s21+$0xFFFFFE80]  }
0x8d: {  	v58 =	vld [tilespmem:s22+$0xFFFFFE90]  }
0x8e: {  	v59 =	vld [tilespmem:s21+$0xFFFFFE90]  }
0x8f: {  	v62 =	vld [tilespmem:s22+$0xFFFFFEA0]  }
0x90: {  	v60 =	vbroadcast v0, $0x2;
	v61 =	vbroadcast v1, $0x2;
	v63 =	vld [tilespmem:s21+$0xFFFFFEA0]  }
0x91: {  	v12 =	vld [tilespmem:s22+$0xFFFFFEB0]  }
0x92: {  	v13 =	vld [tilespmem:s21+$0xFFFFFEB0];
	v2 =	vadd.f32 v2, v60;
	v3 =	vadd.f32 v57, v61  }
0x93: {  	v4 =	vadd.f32 v58, v60;
	v5 =	vadd.f32 v59, v61  }
0x94: {  	v15 =	vadd.f32 v62, v60  }
0x95: {  	v16 =	vadd.f32 v63, v61;
	v2 =	vmul.f32 v3, v2;
	v14 =	vmul.f32 v5, v4  }
0x96: {  	v18 =	vadd.f32 v12, v60  }
0x97: {  	v19 =	vadd.f32 v13, v61;
	v17 =	vmul.f32 v16, v15;
	v2 =	vadd.f32 v14, v2;
	_ =	sdelay $0x1  }
0x98: {  	v20 =	vmul.f32 v19, v18;
	v2 =	vadd.f32 v17, v2;
	_ =	sdelay $0x1  }
0x99: {  	v2 =	vadd.f32 v20, v2;
	_ =	sdelay $0x1  }
0x9a: {  	[tilespmem:s20+$0xFFFFFFA0] =	vst v2  }
0x9b: {  	v2 =	vld [tilespmem:s22+$0xFFFFFEC0]  }
0x9c: {  	v21 =	vld [tilespmem:s21+$0xFFFFFEC0]  }
0x9d: {  	v22 =	vld [tilespmem:s22+$0xFFFFFED0]  }
0x9e: {  	v23 =	vld [tilespmem:s21+$0xFFFFFED0]  }
0x9f: {  	v26 =	vld [tilespmem:s22+$0xFFFFFEE0]  }
0xa0: {  	v24 =	vbroadcast v0, $0x3;
	v25 =	vbroadcast v1, $0x3;
	v27 =	vld [tilespmem:s21+$0xFFFFFEE0]  }
0xa1: {  	v28 =	vld [tilespmem:s22+$0xFFFFFEF0]  }
0xa2: {  	v29 =	vld [tilespmem:s21+$0xFFFFFEF0];
	v2 =	vadd.f32 v2, v24;
	v3 =	vadd.f32 v21, v25  }
0xa3: {  	v4 =	vadd.f32 v22, v24;
	v5 =	vadd.f32 v23, v25  }
0xa4: {  	v31 =	vadd.f32 v26, v24  }
0xa5: {  	v32 =	vadd.f32 v27, v25;
	v2 =	vmul.f32 v3, v2;
	v30 =	vmul.f32 v5, v4  }
0xa6: {  	v34 =	vadd.f32 v28, v24  }
0xa7: {  	v35 =	vadd.f32 v29, v25;
	v33 =	vmul.f32 v32, v31;
	v2 =	vadd.f32 v30, v2;
	_ =	sdelay $0x1  }
0xa8: {  	v36 =	vmul.f32 v35, v34;
	v2 =	vadd.f32 v33, v2;
	_ =	sdelay $0x1  }
0xa9: {  	v2 =	vadd.f32 v36, v2;
	_ =	sdelay $0x1  }
0xaa: {  	[tilespmem:s20+$0xFFFFFFB0] =	vst v2  }
0xab: {  	v2 =	vld [tilespmem:s22+$0xFFFFFF00]  }
0xac: {  	v37 =	vld [tilespmem:s21+$0xFFFFFF00]  }
0xad: {  	v38 =	vld [tilespmem:s22+$0xFFFFFF10]  }
0xae: {  	v39 =	vld [tilespmem:s21+$0xFFFFFF10]  }
0xaf: {  	v42 =	vld [tilespmem:s22+$0xFFFFFF20]  }
0xb0: {  	v40 =	vbroadcast v0, $0x4;
	v41 =	vbroadcast v1, $0x4;
	v43 =	vld [tilespmem:s21+$0xFFFFFF20]  }
0xb1: {  	v44 =	vld [tilespmem:s22+$0xFFFFFF30]  }
0xb2: {  	v45 =	vld [tilespmem:s21+$0xFFFFFF30];
	v2 =	vadd.f32 v2, v40;
	v3 =	vadd.f32 v37, v41  }
0xb3: {  	v4 =	vadd.f32 v38, v40;
	v5 =	vadd.f32 v39, v41  }
0xb4: {  	v47 =	vadd.f32 v42, v40  }
0xb5: {  	v48 =	vadd.f32 v43, v41;
	v2 =	vmul.f32 v3, v2;
	v46 =	vmul.f32 v5, v4  }
0xb6: {  	v50 =	vadd.f32 v44, v40  }
0xb7: {  	v51 =	vadd.f32 v45, v41;
	v49 =	vmul.f32 v48, v47;
	v2 =	vadd.f32 v46, v2;
	_ =	sdelay $0x1  }
0xb8: {  	v52 =	vmul.f32 v51, v50;
	v2 =	vadd.f32 v49, v2;
	_ =	sdelay $0x1  }
0xb9: {  	v2 =	vadd.f32 v52, v2;
	_ =	sdelay $0x1  }
0xba: {  	[tilespmem:s20+$0xFFFFFFC0] =	vst v2  }
0xbb: {  	v2 =	vld [tilespmem:s22+$0xFFFFFF40]  }
0xbc: {  	v53 =	vld [tilespmem:s21+$0xFFFFFF40]  }
0xbd: {  	v54 =	vld [tilespmem:s22+$0xFFFFFF50]  }
0xbe: {  	v55 =	vld [tilespmem:s21+$0xFFFFFF50]  }
0xbf: {  	v58 =	vld [tilespmem:s22+$0xFFFFFF60]  }
0xc0: {  	v56 =	vbroadcast v0, $0x5;
	v57 =	vbroadcast v1, $0x5;
	v59 =	vld [tilespmem:s21+$0xFFFFFF60]  }
0xc1: {  	v60 =	vld [tilespmem:s22+$0xFFFFFF70]  }
0xc2: {  	v61 =	vld [tilespmem:s21+$0xFFFFFF70];
	v2 =	vadd.f32 v2, v56;
	v3 =	vadd.f32 v53, v57  }
0xc3: {  	v4 =	vadd.f32 v54, v56;
	v5 =	vadd.f32 v55, v57  }
0xc4: {  	v63 =	vadd.f32 v58, v56  }
0xc5: {  	v8 =	vadd.f32 v59, v57;
	v2 =	vmul.f32 v3, v2;
	v62 =	vmul.f32 v5, v4  }
0xc6: {  	v10 =	vadd.f32 v60, v56  }
0xc7: {  	v11 =	vadd.f32 v61, v57;
	v9 =	vmul.f32 v8, v63;
	v2 =	vadd.f32 v62, v2;
	_ =	sdelay $0x1  }
0xc8: {  	v12 =	vmul.f32 v11, v10;
	v2 =	vadd.f32 v9, v2;
	_ =	sdelay $0x1  }
0xc9: {  	v2 =	vadd.f32 v12, v2;
	_ =	sdelay $0x1  }
0xca: {  	[tilespmem:s20+$0xFFFFFFD0] =	vst v2  }
0xcb: {  	v2 =	vld [tilespmem:s22+$0xFFFFFF80]  }
0xcc: {  	v13 =	vld [tilespmem:s21+$0xFFFFFF80]  }
0xcd: {  	v14 =	vld [tilespmem:s22+$0xFFFFFF90]  }
0xce: {  	v15 =	vld [tilespmem:s21+$0xFFFFFF90]  }
0xcf: {  	v18 =	vld [tilespmem:s22+$0xFFFFFFA0]  }
0xd0: {  	v16 =	vbroadcast v0, $0x6;
	v17 =	vbroadcast v1, $0x6;
	v19 =	vld [tilespmem:s21+$0xFFFFFFA0]  }
0xd1: {  	v20 =	vld [tilespmem:s22+$0xFFFFFFB0]  }
0xd2: {  	v21 =	vld [tilespmem:s21+$0xFFFFFFB0];
	v2 =	vadd.f32 v2, v16;
	v3 =	vadd.f32 v13, v17  }
0xd3: {  	v4 =	vadd.f32 v14, v16;
	v5 =	vadd.f32 v15, v17  }
0xd4: {  	v23 =	vadd.f32 v18, v16  }
0xd5: {  	v24 =	vadd.f32 v19, v17;
	v2 =	vmul.f32 v3, v2;
	v22 =	vmul.f32 v5, v4  }
0xd6: {  	v26 =	vadd.f32 v20, v16  }
0xd7: {  	v27 =	vadd.f32 v21, v17;
	v25 =	vmul.f32 v24, v23;
	v2 =	vadd.f32 v22, v2;
	_ =	sdelay $0x1  }
0xd8: {  	v28 =	vmul.f32 v27, v26;
	v2 =	vadd.f32 v25, v2;
	_ =	sdelay $0x1  }
0xd9: {  	v2 =	vadd.f32 v28, v2;
	_ =	sdelay $0x1  }
0xda: {  	[tilespmem:s20+$0xFFFFFFE0] =	vst v2  }
0xdb: {  	v2 =	vld [tilespmem:s22+$0xFFFFFFC0]  }
0xdc: {  	v29 =	vld [tilespmem:s21+$0xFFFFFFC0]  }
0xdd: {  	v30 =	vld [tilespmem:s22+$0xFFFFFFD0]  }
0xde: {  	v31 =	vld [tilespmem:s21+$0xFFFFFFD0]  }
0xdf: {  	v34 =	vld [tilespmem:s22+$0xFFFFFFE0]  }
0xe0: {  	v32 =	vbroadcast v0, $0x7;
	v33 =	vbroadcast v1, $0x7;
	v35 =	vld [tilespmem:s21+$0xFFFFFFE0]  }
0xe1: {  	v36 =	vld [tilespmem:s22+$0xFFFFFFF0]  }
0xe2: {  	v37 =	vld [tilespmem:s21+$0xFFFFFFF0];
	v2 =	vadd.f32 v2, v32;
	v3 =	vadd.f32 v29, v33  }
0xe3: {  	v4 =	vadd.f32 v30, v32;
	v5 =	vadd.f32 v31, v33  }
0xe4: {  	v39 =	vadd.f32 v34, v32  }
0xe5: {  	v40 =	vadd.f32 v35, v33;
	v2 =	vmul.f32 v3, v2;
	v38 =	vmul.f32 v5, v4  }
0xe6: {  	v42 =	vadd.f32 v36, v32  }
0xe7: {  	v43 =	vadd.f32 v37, v33;
	v41 =	vmul.f32 v40, v39;
	v2 =	vadd.f32 v38, v2;
	_ =	sdelay $0x1  }
0xe8: {  	v44 =	vmul.f32 v43, v42;
	v2 =	vadd.f32 v41, v2;
	_ =	sdelay $0x1  }
0xe9: {  	v2 =	vadd.f32 v44, v2;
	_ =	sdelay $0x1  }
0xea: {  	[tilespmem:s20+$0xFFFFFFF0] =	vst v2  }
0xeb: {  	v2 =	vld [tilespmem:s22+$0x0]  }
0xec: {  	v45 =	vld [tilespmem:s21+$0x0]  }
0xed: {  	v46 =	vld [tilespmem:s22+$0x10]  }
0xee: {  	v47 =	vld [tilespmem:s21+$0x10]  }
0xef: {  	v50 =	vld [tilespmem:s22+$0x20]  }
0xf0: {  	v48 =	vbroadcast v0, $0x8;
	v49 =	vbroadcast v1, $0x8;
	v51 =	vld [tilespmem:s21+$0x20]  }
0xf1: {  	v52 =	vld [tilespmem:s22+$0x30]  }
0xf2: {  	v53 =	vld [tilespmem:s21+$0x30];
	v2 =	vadd.f32 v2, v48;
	v3 =	vadd.f32 v45, v49  }
0xf3: {  	v4 =	vadd.f32 v46, v48;
	v5 =	vadd.f32 v47, v49  }
0xf4: {  	v55 =	vadd.f32 v50, v48  }
0xf5: {  	v56 =	vadd.f32 v51, v49;
	v2 =	vmul.f32 v3, v2;
	v54 =	vmul.f32 v5, v4  }
0xf6: {  	v58 =	vadd.f32 v52, v48  }
0xf7: {  	v59 =	vadd.f32 v53, v49;
	v57 =	vmul.f32 v56, v55;
	v2 =	vadd.f32 v54, v2;
	_ =	sdelay $0x1  }
0xf8: {  	v60 =	vmul.f32 v59, v58;
	v2 =	vadd.f32 v57, v2;
	_ =	sdelay $0x1  }
0xf9: {  	v2 =	vadd.f32 v60, v2;
	_ =	sdelay $0x1  }
0xfa: {  	[tilespmem:s20+$0x0] =	vst v2  }
0xfb: {  	v2 =	vld [tilespmem:s22+$0x40]  }
0xfc: {  	v61 =	vld [tilespmem:s21+$0x40]  }
0xfd: {  	v62 =	vld [tilespmem:s22+$0x50]  }
0xfe: {  	v63 =	vld [tilespmem:s21+$0x50]  }
0xff: {  	v14 =	vld [tilespmem:s22+$0x60]  }
0x100: {  	v12 =	vbroadcast v0, $0x9;
	v13 =	vbroadcast v1, $0x9;
	v15 =	vld [tilespmem:s21+$0x60]  }
0x101: {  	v16 =	vld [tilespmem:s22+$0x70]  }
0x102: {  	v17 =	vld [tilespmem:s21+$0x70];
	v2 =	vadd.f32 v2, v12;
	v3 =	vadd.f32 v61, v13  }
0x103: {  	v4 =	vadd.f32 v62, v12;
	v5 =	vadd.f32 v63, v13  }
0x104: {  	v19 =	vadd.f32 v14, v12  }
0x105: {  	v20 =	vadd.f32 v15, v13;
	v2 =	vmul.f32 v3, v2;
	v18 =	vmul.f32 v5, v4  }
0x106: {  	v22 =	vadd.f32 v16, v12  }
0x107: {  	v23 =	vadd.f32 v17, v13;
	v21 =	vmul.f32 v20, v19;
	v2 =	vadd.f32 v18, v2;
	_ =	sdelay $0x1  }
0x108: {  	v24 =	vmul.f32 v23, v22;
	v2 =	vadd.f32 v21, v2;
	_ =	sdelay $0x1  }
0x109: {  	v2 =	vadd.f32 v24, v2;
	_ =	sdelay $0x1  }
0x10a: {  	[tilespmem:s20+$0x10] =	vst v2  }
0x10b: {  	v2 =	vld [tilespmem:s22+$0x80]  }
0x10c: {  	v25 =	vld [tilespmem:s21+$0x80]  }
0x10d: {  	v26 =	vld [tilespmem:s22+$0x90]  }
0x10e: {  	v27 =	vld [tilespmem:s21+$0x90]  }
0x10f: {  	v30 =	vld [tilespmem:s22+$0xA0]  }
0x110: {  	v28 =	vbroadcast v0, $0xA;
	v29 =	vbroadcast v1, $0xA;
	v31 =	vld [tilespmem:s21+$0xA0]  }
0x111: {  	v32 =	vld [tilespmem:s22+$0xB0]  }
0x112: {  	v33 =	vld [tilespmem:s21+$0xB0];
	v2 =	vadd.f32 v2, v28;
	v3 =	vadd.f32 v25, v29  }
0x113: {  	v4 =	vadd.f32 v26, v28;
	v5 =	vadd.f32 v27, v29  }
0x114: {  	v35 =	vadd.f32 v30, v28  }
0x115: {  	v36 =	vadd.f32 v31, v29;
	v2 =	vmul.f32 v3, v2;
	v34 =	vmul.f32 v5, v4  }
0x116: {  	v38 =	vadd.f32 v32, v28  }
0x117: {  	v39 =	vadd.f32 v33, v29;
	v37 =	vmul.f32 v36, v35;
	v2 =	vadd.f32 v34, v2;
	_ =	sdelay $0x1  }
0x118: {  	v40 =	vmul.f32 v39, v38;
	v2 =	vadd.f32 v37, v2;
	_ =	sdelay $0x1  }
0x119: {  	v2 =	vadd.f32 v40, v2;
	_ =	sdelay $0x1  }
0x11a: {  	[tilespmem:s20+$0x20] =	vst v2  }
0x11b: {  	v2 =	vld [tilespmem:s22+$0xC0]  }
0x11c: {  	v41 =	vld [tilespmem:s21+$0xC0]  }
0x11d: {  	v42 =	vld [tilespmem:s22+$0xD0]  }
0x11e: {  	v43 =	vld [tilespmem:s21+$0xD0]  }
0x11f: {  	v46 =	vld [tilespmem:s22+$0xE0]  }
0x120: {  	v44 =	vbroadcast v0, $0xB;
	v45 =	vbroadcast v1, $0xB;
	v47 =	vld [tilespmem:s21+$0xE0]  }
0x121: {  	v48 =	vld [tilespmem:s22+$0xF0]  }
0x122: {  	v49 =	vld [tilespmem:s21+$0xF0];
	v2 =	vadd.f32 v2, v44;
	v3 =	vadd.f32 v41, v45  }
0x123: {  	v4 =	vadd.f32 v42, v44;
	v5 =	vadd.f32 v43, v45  }
0x124: {  	v51 =	vadd.f32 v46, v44  }
0x125: {  	v52 =	vadd.f32 v47, v45;
	v2 =	vmul.f32 v3, v2;
	v50 =	vmul.f32 v5, v4  }
0x126: {  	v54 =	vadd.f32 v48, v44  }
0x127: {  	v55 =	vadd.f32 v49, v45;
	v53 =	vmul.f32 v52, v51;
	v2 =	vadd.f32 v50, v2;
	_ =	sdelay $0x1  }
0x128: {  	v56 =	vmul.f32 v55, v54;
	v2 =	vadd.f32 v53, v2;
	_ =	sdelay $0x1  }
0x129: {  	v2 =	vadd.f32 v56, v2;
	_ =	sdelay $0x1  }
0x12a: {  	[tilespmem:s20+$0x30] =	vst v2  }
0x12b: {  	v2 =	vld [tilespmem:s22+$0x100]  }
0x12c: {  	v57 =	vld [tilespmem:s21+$0x100]  }
0x12d: {  	v58 =	vld [tilespmem:s22+$0x110]  }
0x12e: {  	v59 =	vld [tilespmem:s21+$0x110]  }
0x12f: {  	v62 =	vld [tilespmem:s22+$0x120]  }
0x130: {  	v60 =	vbroadcast v0, $0xC;
	v61 =	vbroadcast v1, $0xC;
	v63 =	vld [tilespmem:s21+$0x120]  }
0x131: {  	v12 =	vld [tilespmem:s22+$0x130]  }
0x132: {  	v13 =	vld [tilespmem:s21+$0x130];
	v2 =	vadd.f32 v2, v60;
	v3 =	vadd.f32 v57, v61  }
0x133: {  	v4 =	vadd.f32 v58, v60;
	v5 =	vadd.f32 v59, v61  }
0x134: {  	v15 =	vadd.f32 v62, v60  }
0x135: {  	v16 =	vadd.f32 v63, v61;
	v2 =	vmul.f32 v3, v2;
	v14 =	vmul.f32 v5, v4  }
0x136: {  	v18 =	vadd.f32 v12, v60  }
0x137: {  	v19 =	vadd.f32 v13, v61;
	v17 =	vmul.f32 v16, v15;
	v2 =	vadd.f32 v14, v2;
	_ =	sdelay $0x1  }
0x138: {  	v20 =	vmul.f32 v19, v18;
	v2 =	vadd.f32 v17, v2;
	_ =	sdelay $0x1  }
0x139: {  	v2 =	vadd.f32 v20, v2;
	_ =	sdelay $0x1  }
0x13a: {  	[tilespmem:s20+$0x40] =	vst v2  }
0x13b: {  	v2 =	vld [tilespmem:s22+$0x140]  }
0x13c: {  	v21 =	vld [tilespmem:s21+$0x140]  }
0x13d: {  	v22 =	vld [tilespmem:s22+$0x150]  }
0x13e: {  	v23 =	vld [tilespmem:s21+$0x150]  }
0x13f: {  	v26 =	vld [tilespmem:s22+$0x160]  }
0x140: {  	v24 =	vbroadcast v0, $0xD;
	v25 =	vbroadcast v1, $0xD;
	v27 =	vld [tilespmem:s21+$0x160]  }
0x141: {  	v28 =	vld [tilespmem:s22+$0x170]  }
0x142: {  	v29 =	vld [tilespmem:s21+$0x170];
	v2 =	vadd.f32 v2, v24;
	v3 =	vadd.f32 v21, v25  }
0x143: {  	v4 =	vadd.f32 v22, v24;
	v5 =	vadd.f32 v23, v25  }
0x144: {  	v31 =	vadd.f32 v26, v24  }
0x145: {  	v32 =	vadd.f32 v27, v25;
	v2 =	vmul.f32 v3, v2;
	v30 =	vmul.f32 v5, v4  }
0x146: {  	v34 =	vadd.f32 v28, v24  }
0x147: {  	v35 =	vadd.f32 v29, v25;
	v33 =	vmul.f32 v32, v31;
	v2 =	vadd.f32 v30, v2;
	_ =	sdelay $0x1  }
0x148: {  	v36 =	vmul.f32 v35, v34;
	v2 =	vadd.f32 v33, v2;
	_ =	sdelay $0x1  }
0x149: {  	v2 =	vadd.f32 v36, v2;
	_ =	sdelay $0x1  }
0x14a: {  	[tilespmem:s20+$0x50] =	vst v2  }
0x14b: {  	v2 =	vld [tilespmem:s22+$0x180]  }
0x14c: {  	v37 =	vld [tilespmem:s21+$0x180]  }
0x14d: {  	v38 =	vld [tilespmem:s22+$0x190]  }
0x14e: {  	v39 =	vld [tilespmem:s21+$0x190]  }
0x14f: {  	v42 =	vld [tilespmem:s22+$0x1A0]  }
0x150: {  	v40 =	vbroadcast v0, $0xE;
	v41 =	vbroadcast v1, $0xE;
	v43 =	vld [tilespmem:s21+$0x1A0]  }
0x151: {  	v44 =	vld [tilespmem:s22+$0x1B0]  }
0x152: {  	v45 =	vld [tilespmem:s21+$0x1B0];
	v2 =	vadd.f32 v2, v40;
	v3 =	vadd.f32 v37, v41  }
0x153: {  	v4 =	vadd.f32 v38, v40;
	v5 =	vadd.f32 v39, v41  }
0x154: {  	v47 =	vadd.f32 v42, v40  }
0x155: {  	v48 =	vadd.f32 v43, v41;
	v2 =	vmul.f32 v3, v2;
	v46 =	vmul.f32 v5, v4  }
0x156: {  	v50 =	vadd.f32 v44, v40  }
0x157: {  	v51 =	vadd.f32 v45, v41;
	v49 =	vmul.f32 v48, v47;
	v2 =	vadd.f32 v46, v2;
	_ =	sdelay $0x1  }
0x158: {  	v52 =	vmul.f32 v51, v50;
	v2 =	vadd.f32 v49, v2;
	_ =	sdelay $0x1  }
0x159: {  	v2 =	vadd.f32 v52, v2;
	_ =	sdelay $0x1  }
0x15a: {  	[tilespmem:s20+$0x60] =	vst v2  }
0x15b: {  	v2 =	vld [tilespmem:s22+$0x1C0]  }
0x15c: {  	v53 =	vld [tilespmem:s21+$0x1C0]  }
0x15d: {  	v54 =	vld [tilespmem:s22+$0x1D0]  }
0x15e: {  	v55 =	vld [tilespmem:s21+$0x1D0]  }
0x15f: {  	v56 =	vld [tilespmem:s22+$0x1E0]  }
0x160: {  	v0 =	vbroadcast v0, $0xF;
	v1 =	vbroadcast v1, $0xF;
	v57 =	vld [tilespmem:s21+$0x1E0]  }
0x161: {  	v58 =	vld [tilespmem:s22+$0x1F0]  }
0x162: {  	v59 =	vld [tilespmem:s21+$0x1F0];
	v2 =	vadd.f32 v2, v0;
	v3 =	vadd.f32 v53, v1  }
0x163: {  	v4 =	vadd.f32 v54, v0;
	v5 =	vadd.f32 v55, v1  }
0x164: {  	v61 =	vadd.f32 v56, v0  }
0x165: {  	v62 =	vadd.f32 v57, v1;
	v2 =	vmul.f32 v3, v2;
	v60 =	vmul.f32 v5, v4  }
0x166: {  	v0 =	vadd.f32 v58, v0  }
0x167: {  	v1 =	vadd.f32 v59, v1;
	v63 =	vmul.f32 v62, v61;
	v2 =	vadd.f32 v60, v2  }
0x168: {  	p0 =	sne.s32 s24, $0x7C0  }
.Ltmp0:
0x169: {  	v0 =	vmul.f32 v1, v0;
	v2 =	vadd.f32 v63, v2;
	(pc) =	sbr.rel @p0 .LBB2_2-.Ltmp0, $4  }
0x16a: {  	_ = 	snop  }
0x16b: {  	v0 =	vadd.f32 v0, v2  }
0x16c: {  	s24 =	sadd.s32 $0x40, s24  }
0x16d: {  	s21 =	sadd.s32 $0x400, s21;
	s22 =	sadd.s32 $0x400, s22;
	[tilespmem:s20+$0x70] =	vst v0;
	s20 =	sadd.s32 $0x100, s20  }
0x16e: {  	s18 =	sadd.s32 $0x1, s18  }
0x16f: {  	p0 =	sne.s32 s18, s10  }
.Ltmp1:
0x170: {  	_ = 	snop;
	(pc) =	sbr.rel @p0 .LBB2_1-.Ltmp1, $4  }
0x171: {  	[hbm4b:s9+s4] =	stream.linear.scatter [tilespmem:s17], [sflag:$0x2], $0x2000, $0x38;
	[tilespmem:$0x12800] =	vst v63  }
0x172: {  	_ =	swait.ge [sflag:s11], $0x2000  }
0x173: {  	[sflag:s11] =	ssyncset.done $0x0  }
0x174: {  	[sflag:s11] =	ssyncadd.s32 $0xFFFFE000  }
0x175: {  	_ =	sfence.sel $0x180000  }
0x176: {  	[bflag:$0x0] =	sbarrier.arrive $0xFFFF  }
0x177: {  	_ =	strace $0x90000047  }
0x178: {  	s0 =	stileid.u32;
	[bflag:$0x2] =	sbarrier.arrive $0xFFFF  }
0x179: {  	p0 =	sne.s32 s0, $0x0;
	s0 =	rddreg [dreg:$0x5]  }
0x17a: {  	s0 =	sadd.s32 @!p0 $0x100000, s0  }
0x17b: {  	[sflag:s0] =	ssyncadd.tile.s32 @!p0 $0x1;
	_ =	shalt  }
.Lfunc_end2:
_tile_overlayer_lowered:
.L_overlay_start_2:
0x17c: {  	(tag) =	ssettag $0x2  }
0x17d: {  	s0 =	rddreg [dreg:$0x0];
	s2 =	stileid.u32  }
0x17e: {  	s1 =	rddreg [dreg:$0x1];
	p0 =	sne.s32 s2, $0x0  }
0x17f: {  	s3 =	rddreg [dreg:$0x2];
	[bflag:$0x3] =	sbarrier.arrive $0xFFFF;
	s2 =	simm.s32 @!p0 $0x1C02  }
0x180: {  	[timem:s3], [sflag:s2] =	dma.local @!p0 [hbm:s0], s1  }
0x181: {  	s0 =	simm.s32 @!p0 $0x2  }
0x182: {  	_ =	swait.ge @!p0 [sflag:s0], s1  }
0x183: {  	s1 =	ssub.s32 @!p0 $0x0, s1;
	[sflag:s0] =	ssyncset.done @!p0 $0x0  }
0x184: {  	[sflag:s0] =	ssyncadd.s32 @!p0 s1  }
0x185: {  	[bflag:$0x3] =	sbarrier.arrive $0xFFFF  }
0x186: {  	_ =	shalt  }

</sc_bundles>
